<compile_context>
chip_gen: v7x
topology: tpu7x:2x2x1
jax: 0.10.2.dev20260603
libtpu: 0.0.44.dev20260713+nightly
codegen_flags: <defaults>
</compile_context>

<pallas_src>
import jax
import jax.numpy as jnp
from jax import lax
from jax.experimental import pallas as pl
from jax.experimental.pallas import tpu as pltpu

_TOP_N = 2
_REG_W = 0.05
_RBLK = 128
_CBLK = 1024
_KEY_LO = 1234


def _threefry_bits(idx_u32):
    ks0 = 0
    ks1 = _KEY_LO
    ks2 = ks0 ^ ks1 ^ 0x1BD11BDA
    rot_a = (13, 15, 26, 6)
    rot_b = (17, 29, 16, 24)

    def rounds(x0, x1, rots):
        for r in rots:
            x0 = x0 + x1
            x1 = ((x1 << r) | (x1 >> (32 - r))) ^ x0
        return x0, x1

    def u32(v):
        return jnp.uint32(v & 0xFFFFFFFF)

    x0 = jnp.zeros_like(idx_u32) + u32(ks0)
    x1 = idx_u32 + u32(ks1)
    x0, x1 = rounds(x0, x1, rot_a)
    x0 = x0 + u32(ks1)
    x1 = x1 + u32(ks2 + 1)
    x0, x1 = rounds(x0, x1, rot_b)
    x0 = x0 + u32(ks2)
    x1 = x1 + u32(ks0 + 2)
    x0, x1 = rounds(x0, x1, rot_a)
    x0 = x0 + u32(ks0)
    x1 = x1 + u32(ks1 + 3)
    x0, x1 = rounds(x0, x1, rot_b)
    x0 = x0 + u32(ks1)
    x1 = x1 + u32(ks2 + 4)
    x0, x1 = rounds(x0, x1, rot_a)
    x0 = x0 + u32(ks2)
    x1 = x1 + u32(ks0 + 5)
    return x0 ^ x1


def _body(yp_ref, lp_ref, ep_ref, rid_ref,
          ls2_ref, ys2_ref, cid2_ref,
          ysr_ref,
          out_ref,
          colsum, validv, lossacc, e2):
    n = ysr_ref.shape[1]
    ntiles = ls2_ref.shape[0]
    k = pl.program_id(0)
    nsteps = pl.num_programs(0)
    r0 = k * _RBLK

    y_sr = ysr_ref[...]
    max_y = jnp.max(y_sr)

    @pl.when(k == 0)
    def _init():
        colsum[...] = jnp.zeros_like(colsum)
        validv[...] = jnp.zeros_like(validv)
        lossacc[...] = jnp.zeros_like(lossacc)
        e2[...] = jnp.exp(ys2_ref[...] - max_y)

    e_c = ep_ref[pl.ds(r0, _RBLK), :]

    @pl.when(jnp.max(e_c) > 0.0)
    def _block():
        y_c = yp_ref[pl.ds(r0, _RBLK), :]
        l_c = lp_ref[pl.ds(r0, _RBLK), :]
        rid = rid_ref[pl.ds(r0, _RBLK), :]

        min_len = jnp.min(jnp.where(e_c > 0.0, l_c, jnp.inf))
        start_t = jnp.int32(0)
        for t in range(ntiles):
            tile_max = jnp.max(ls2_ref[t, :])
            start_t += jnp.where(tile_max - min_len > 0.0, 0, 1).astype(
                jnp.int32)

        cols_loc = lax.broadcasted_iota(jnp.int32, (_RBLK, _CBLK), 1)
        zero_c = jnp.zeros((_RBLK, 1), jnp.float32)
        zero_i = jnp.zeros((_RBLK, 1), jnp.int32)

        def extract(v, e_tile, base):
            m = jnp.max(v, axis=1, keepdims=True)
            ism = v == m
            pos = jnp.min(jnp.where(ism, cols_loc, _CBLK), axis=1,
                          keepdims=True)
            sel = cols_loc == pos
            ev = jnp.sum(jnp.where(sel, e_tile, 0.0), axis=1, keepdims=True)
            return m, pos + base, ev, jnp.where(sel, -1.0, v)

        def insert(state, x, ex, jx):
            v1, e1, j1, v2, e2_, j2, v3 = state
            gt1 = x > v1
            gt2 = x > v2
            gt3 = x > v3
            v3n = jnp.where(gt2, v2, jnp.where(gt3, x, v3))
            v2n = jnp.where(gt1, v1, jnp.where(gt2, x, v2))
            e2n = jnp.where(gt1, e1, jnp.where(gt2, ex, e2_))
            j2n = jnp.where(gt1, j1, jnp.where(gt2, jx, j2))
            v1n = jnp.where(gt1, x, v1)
            e1n = jnp.where(gt1, ex, e1)
            j1n = jnp.where(gt1, jx, j1)
            return (v1n, e1n, j1n, v2n, e2n, j2n, v3n)

        def tile_body(t, state):
            l_tile = ls2_ref[pl.ds(t, 1), :]
            cid = cid2_ref[pl.ds(t, 1), :]
            e_tile = e2[pl.ds(t, 1), :]
            idx = lax.bitcast_convert_type(rid * n + cid, jnp.uint32)
            bits = _threefry_bits(idx)
            fl = lax.bitcast_convert_type(
                (bits >> 9) | jnp.uint32(0x3F800000), jnp.float32)
            u = fl - 1.0
            pair = ((l_tile - l_c) > 0.0) & (e_c > 0.0)
            val = jnp.where(pair, 1.0 + u, 0.0)
            base = t * _CBLK
            t1, p1, ev1, val = extract(val, e_tile, base)
            t2, p2, ev2, val = extract(val, e_tile, base)
            t3 = jnp.max(val, axis=1, keepdims=True)
            state = insert(state, t1, ev1, p1)
            state = insert(state, t2, ev2, p2)
            state = insert(state, t3, zero_c, zero_i)
            return state

        init = (zero_c, zero_c, zero_i, zero_c, zero_c, zero_i, zero_c)
        v1, e1, j1, v2, e2p, j2, v3 = lax.fori_loop(
            start_t, ntiles, tile_body, init)

        s1 = (v1 > v3).astype(jnp.float32)
        s2 = (v2 > v3).astype(jnp.float32)
        validf = s1

        row_sum = s1 * e1 + s2 * e2p + validf * jnp.exp(y_c - max_y)
        rs_safe = jnp.where(validf > 0.0, row_sum, 1.0)
        row_loss = validf * ((max_y - y_c) + jnp.log(rs_safe))
        lossacc[...] += jnp.sum(row_loss, keepdims=True)[:1, :1]

        cols_full = lax.broadcasted_iota(jnp.int32, (_RBLK, n), 1)
        add = (jnp.where(cols_full == j1, s1, 0.0)
               + jnp.where(cols_full == j2, s2, 0.0))
        colsum[...] += jnp.sum(add, axis=0, keepdims=True)
        validv[pl.ds(r0, _RBLK), :] = validf

    @pl.when(k == nsteps - 1)
    def _finish():
        reg = (jnp.sum(colsum[...] * jnp.abs(y_sr), keepdims=True)
               + jnp.sum(validv[...] * jnp.abs(yp_ref[...]),
                         keepdims=True)[:1, :1])
        out_ref[...] = lossacc[...] + _REG_W * reg


def _build_call(n, interpret=False):
    ntiles = n // _CBLK
    full_col = pl.BlockSpec((n, 1), lambda k: (0, 0))
    full_t = pl.BlockSpec((ntiles, _CBLK), lambda k: (0, 0))
    full_row = pl.BlockSpec((1, n), lambda k: (0, 0))
    return pl.pallas_call(
        _body,
        grid=(n // _RBLK,),
        in_specs=[full_col, full_col, full_col, full_col,
                  full_t, full_t, full_t, full_row],
        out_specs=pl.BlockSpec((1, 1), lambda k: (0, 0)),
        out_shape=jax.ShapeDtypeStruct((1, 1), jnp.float32),
        scratch_shapes=[
            pltpu.VMEM((1, n), jnp.float32),
            pltpu.VMEM((n, 1), jnp.float32),
            pltpu.VMEM((1, 1), jnp.float32),
            pltpu.VMEM((ntiles, _CBLK), jnp.float32),
        ],
        compiler_params=pltpu.CompilerParams(
            dimension_semantics=("arbitrary",)),
        interpret=interpret,
    )


def kernel(y_pred, length, event):
    n = y_pred.shape[0]
    row_perm = jnp.argsort(jnp.where(event > 0.0, length, jnp.inf))
    y_p = y_pred[row_perm].reshape(n, 1)
    l_p = length[row_perm].reshape(n, 1)
    e_p = event[row_perm].reshape(n, 1)
    rid = row_perm.astype(jnp.int32).reshape(n, 1)
    col_perm = jnp.argsort(length)
    ntiles = n // _CBLK
    ls2 = length[col_perm].reshape(ntiles, _CBLK)
    ys2 = y_pred[col_perm].reshape(ntiles, _CBLK)
    cid2 = col_perm.astype(jnp.int32).reshape(ntiles, _CBLK)
    ysr = y_pred[col_perm].reshape(1, n)
    out = _build_call(n)(y_p, l_p, e_p, rid, ls2, ys2, cid2, ysr)
    return out[0, 0]

# --- scband reference (transcript-rebuilt; emitter-appended) ---
"""Pipeline reference for scband-cox-sgdloss-fn-44951127720573 (READ-ONLY COPY).

The authoritative reference and input builder live on the scoring server;
editing this copy changes nothing except your own understanding.
"""

import jax, jax.numpy as jnp
import numpy as np

TOP_N = 2
REG_W = 0.05

def setup_inputs(seed: int = 0) -> dict:
    key = jax.random.key(seed)
    k1, k2, k3 = jax.random.split(key, 3)
    n = 8192
    y_pred = jax.random.normal(k1, (n,), dtype=jnp.float32)
    length = jax.random.uniform(k2, (n,), dtype=jnp.float32)
    event = jax.random.randint(k3, (n,), 0, 2).astype(jnp.float32)
    return {"y_pred": y_pred, "length": length, "event": event}

def reference(y_pred, length, event):
    n = y_pred.shape[0]
    # pairwise comparability matrix: length_j > length_i and event_i == 1
    pair_mat = ((length[None, :] - length[:, None]) > 0).astype(jnp.float32) * event[:, None]
    # top-n random subsampling of pairs per row (torch.rand_like replicated with a fixed jax key)
    rk = jax.random.key(1234)
    u = jax.random.uniform(rk, (n, n), dtype=jnp.float32)
    p_with_rand = pair_mat * (1.0 + u)
    # threshold = (top_n+1)-th largest value per row (value at argsort index [:, -(top_n+1)])
    sorted_rows = jnp.sort(p_with_rand, axis=1)
    rand_thr = sorted_rows[:, -(TOP_N + 1)][:, None]
    pair_mat = pair_mat * (p_with_rand > rand_thr).astype(jnp.float32)
    # rows with at least one surviving pair; set their diagonal to 1 (diag is 0 before this)
    valid_mask = (pair_mat.sum(axis=1) > 0).astype(jnp.float32)
    pair_mat = pair_mat + jnp.diag(valid_mask)
    # numerically-stabilized log-sum-exp of score differences over surviving pairs
    score_diff = y_pred[None, :] - y_pred[:, None]
    row_max = jnp.max(score_diff, axis=1, keepdims=True)
    row_sum = (jnp.exp(score_diff - row_max) * pair_mat).sum(axis=1)
    safe_sum = jnp.where(valid_mask > 0, row_sum, 1.0)
    loss = (valid_mask * (row_max[:, 0] + jnp.log(safe_sum))).sum()
    regularizer = jnp.abs(pair_mat.sum(axis=0) * y_pred).sum()
    loss = loss + REG_W * regularizer
    return loss

if __name__ == "__main__":
    import jax
    _d = setup_inputs()
    print(jax.jit(kernel)(*tuple(_d.values())))

</pallas_src>

<mosaic_0001>
module attributes {stable_mosaic.version = 14 : i64} {
  func.func @_body(%arg0: i32, %arg1: memref<8192x1xf32, #tpu.memory_space<vmem>>, %arg2: memref<8192x1xf32, #tpu.memory_space<vmem>>, %arg3: memref<8192x1xf32, #tpu.memory_space<vmem>>, %arg4: memref<8192x1xi32, #tpu.memory_space<vmem>>, %arg5: memref<8x1024xf32, #tpu.memory_space<vmem>>, %arg6: memref<8x1024xf32, #tpu.memory_space<vmem>>, %arg7: memref<8x1024xi32, #tpu.memory_space<vmem>>, %arg8: memref<1x8192xf32, #tpu.memory_space<vmem>>, %arg9: memref<1x1xf32, #tpu.memory_space<vmem>>, %arg10: memref<1x8192xf32, #tpu.memory_space<vmem>>, %arg11: memref<8192x1xf32, #tpu.memory_space<vmem>>, %arg12: memref<1x1xf32, #tpu.memory_space<vmem>>, %arg13: memref<8x1024xf32, #tpu.memory_space<vmem>>) attributes {dimension_semantics = [#tpu.dimension_semantics<arbitrary>], iteration_bounds = array<i64: 64>, scalar_prefetch = 0 : i64, scratch_operands = 4 : i64, tpu.core_type = #tpu.core_type<tc>, window_params = [{pipeline_mode = #tpu.pipeline_mode<synchronous>, transform_indices = @transform_0, window_bounds = array<i64: 8192, 1>}, {pipeline_mode = #tpu.pipeline_mode<synchronous>, transform_indices = @transform_1, window_bounds = array<i64: 8192, 1>}, {pipeline_mode = #tpu.pipeline_mode<synchronous>, transform_indices = @transform_2, window_bounds = array<i64: 8192, 1>}, {pipeline_mode = #tpu.pipeline_mode<synchronous>, transform_indices = @transform_3, window_bounds = array<i64: 8192, 1>}, {pipeline_mode = #tpu.pipeline_mode<synchronous>, transform_indices = @transform_4, window_bounds = array<i64: 8, 1024>}, {pipeline_mode = #tpu.pipeline_mode<synchronous>, transform_indices = @transform_5, window_bounds = array<i64: 8, 1024>}, {pipeline_mode = #tpu.pipeline_mode<synchronous>, transform_indices = @transform_6, window_bounds = array<i64: 8, 1024>}, {pipeline_mode = #tpu.pipeline_mode<synchronous>, transform_indices = @transform_7, window_bounds = array<i64: 1, 8192>}, {pipeline_mode = #tpu.pipeline_mode<synchronous>, transform_indices = @transform_8, window_bounds = array<i64: 1, 1>}]} {
    %mul3A = arith.constant 128 : i32
    %mul3A_0 = arith.muli %arg0, %mul3A : i32
    %get3A = arith.constant 0 : index
    %get3A_1 = arith.constant 0 : index
    %get3A_2 = vector.load %arg8[%get3A, %get3A_1] : memref<1x8192xf32, #tpu.memory_space<vmem>>, vector<1x8192xf32>
    %reduce_max3A = vector.shape_cast %get3A_2 : vector<1x8192xf32> to vector<1x1x8192xf32>
    %reduce_max3A_3 = arith.constant dense<0xFF800000> : vector<1xf32>
    %reduce_max3A_4 = vector.multi_reduction <maximumf>, %reduce_max3A, %reduce_max3A_3 [1, 2] : vector<1x1x8192xf32> to vector<1xf32>
    %reduce_max3A_5 = vector.shape_cast %reduce_max3A_4 : vector<1xf32> to vector<1x1x1xf32>
    %reduce_max3A_6 = vector.extract %reduce_max3A_5[0, 0, 0] : f32 from vector<1x1x1xf32>
    %eq3A = arith.constant 0 : i32
    %eq3A_7 = arith.cmpi eq, %arg0, %eq3A : i32
    %convert_element_type3A = arith.extui %eq3A_7 : i1 to i32
    %cond3A = arith.constant 0 : i32
    %cond3A_8 = arith.cmpi ne, %convert_element_type3A, %cond3A : i32
    scf.if %cond3A_8 {
      %broadcast_in_dim3A = arith.constant 0.000000e+00 : f32
      %broadcast_in_dim3A_26 = vector.broadcast %broadcast_in_dim3A : f32 to vector<1x8192xf32>
      %swap3A = arith.constant 0 : index
      %swap3A_27 = arith.constant 0 : index
      %swap3A_28 = vector.load %arg10[%swap3A, %swap3A_27] : memref<1x8192xf32, #tpu.memory_space<vmem>>, vector<1x8192xf32>
      tpu.vector_store %arg10[%swap3A, %swap3A_27], %broadcast_in_dim3A_26 {strides = array<i32>} : memref<1x8192xf32, #tpu.memory_space<vmem>>, vector<1x8192xf32>,
      %broadcast_in_dim3A_29 = arith.constant 0.000000e+00 : f32
      %broadcast_in_dim3A_30 = vector.broadcast %broadcast_in_dim3A_29 : f32 to vector<8192x1xf32>
      %swap3A_31 = arith.constant 0 : index
      %swap3A_32 = arith.constant 0 : index
      %swap3A_33 = vector.load %arg11[%swap3A_31, %swap3A_32] : memref<8192x1xf32, #tpu.memory_space<vmem>>, vector<8192x1xf32>
      tpu.vector_store %arg11[%swap3A_31, %swap3A_32], %broadcast_in_dim3A_30 {strides = array<i32>} : memref<8192x1xf32, #tpu.memory_space<vmem>>, vector<8192x1xf32>,
      %broadcast_in_dim3A_34 = arith.constant 0.000000e+00 : f32
      %broadcast_in_dim3A_35 = vector.broadcast %broadcast_in_dim3A_34 : f32 to vector<1x1xf32>
      %swap3A_36 = arith.constant 0 : index
      %swap3A_37 = arith.constant 0 : index
      %swap3A_38 = vector.load %arg12[%swap3A_36, %swap3A_37] : memref<1x1xf32, #tpu.memory_space<vmem>>, vector<1x1xf32>
      tpu.vector_store %arg12[%swap3A_36, %swap3A_37], %broadcast_in_dim3A_35 {strides = array<i32>} : memref<1x1xf32, #tpu.memory_space<vmem>>, vector<1x1xf32>,
      %get3A_39 = arith.constant 0 : index
      %get3A_40 = arith.constant 0 : index
      %get3A_41 = vector.load %arg6[%get3A_39, %get3A_40] : memref<8x1024xf32, #tpu.memory_space<vmem>>, vector<8x1024xf32>
      %sub3A = vector.broadcast %reduce_max3A_6 : f32 to vector<8x1024xf32>
      %sub3A_42 = arith.subf %get3A_41, %sub3A : vector<8x1024xf32>
      %exp3A = math.exp %sub3A_42 : vector<8x1024xf32>
      %swap3A_43 = arith.constant 0 : index
      %swap3A_44 = arith.constant 0 : index
      %swap3A_45 = vector.load %arg13[%swap3A_43, %swap3A_44] : memref<8x1024xf32, #tpu.memory_space<vmem>>, vector<8x1024xf32>
      tpu.vector_store %arg13[%swap3A_43, %swap3A_44], %exp3A {strides = array<i32>} : memref<8x1024xf32, #tpu.memory_space<vmem>>, vector<8x1024xf32>,
    } else {
    }
    %get3A_9 = arith.index_cast %mul3A_0 : i32 to index
    %get3A_10 = arith.constant 0 : index
    %get3A_11 = vector.load %arg3[%get3A_9, %get3A_10] : memref<8192x1xf32, #tpu.memory_space<vmem>>, vector<128x1xf32>
    %reduce_max3A_12 = vector.shape_cast %get3A_11 : vector<128x1xf32> to vector<1x128x1xf32>
    %reduce_max3A_13 = arith.constant dense<0xFF800000> : vector<1xf32>
    %reduce_max3A_14 = vector.multi_reduction <maximumf>, %reduce_max3A_12, %reduce_max3A_13 [1, 2] : vector<1x128x1xf32> to vector<1xf32>
    %reduce_max3A_15 = vector.shape_cast %reduce_max3A_14 : vector<1xf32> to vector<1x1x1xf32>
    %reduce_max3A_16 = vector.extract %reduce_max3A_15[0, 0, 0] : f32 from vector<1x1x1xf32>
    %gt3A = arith.constant 0.000000e+00 : f32
    %gt3A_17 = arith.cmpf ogt, %reduce_max3A_16, %gt3A : f32
    %convert_element_type3A_18 = arith.extui %gt3A_17 : i1 to i32
    %cond3A_19 = arith.constant 0 : i32
    %cond3A_20 = arith.cmpi ne, %convert_element_type3A_18, %cond3A_19 : i32
    scf.if %cond3A_20 {
      %get3A_26 = arith.index_cast %mul3A_0 : i32 to index
      %get3A_27 = arith.constant 0 : index
      %get3A_28 = vector.load %arg1[%get3A_26, %get3A_27] : memref<8192x1xf32, #tpu.memory_space<vmem>>, vector<128x1xf32>
      %get3A_29 = arith.index_cast %mul3A_0 : i32 to index
      %get3A_30 = arith.constant 0 : index
      %get3A_31 = vector.load %arg2[%get3A_29, %get3A_30] : memref<8192x1xf32, #tpu.memory_space<vmem>>, vector<128x1xf32>
      %get3A_32 = arith.index_cast %mul3A_0 : i32 to index
      %get3A_33 = arith.constant 0 : index
      %get3A_34 = vector.load %arg4[%get3A_32, %get3A_33] : memref<8192x1xi32, #tpu.memory_space<vmem>>, vector<128x1xi32>
      %gt3A_35 = arith.constant 0.000000e+00 : f32
      %gt3A_36 = vector.broadcast %gt3A_35 : f32 to vector<128x1xf32>
      %gt3A_37 = arith.cmpf ogt, %get3A_11, %gt3A_36 : vector<128x1xf32>
      %jit3A = arith.constant 0x7F800000 : f32
      %broadcast_in_dim3A = vector.broadcast %jit3A : f32 to vector<128x1xf32>
      %select_n3A = arith.select %gt3A_37, %get3A_31, %broadcast_in_dim3A : vector<128x1xi1>, vector<128x1xf32>
      %reduce_min3A = vector.shape_cast %select_n3A : vector<128x1xf32> to vector<1x128x1xf32>
      %reduce_min3A_38 = arith.constant dense<0x7F800000> : vector<1xf32>
      %reduce_min3A_39 = vector.multi_reduction <minimumf>, %reduce_min3A, %reduce_min3A_38 [1, 2] : vector<1x128x1xf32> to vector<1xf32>
      %reduce_min3A_40 = vector.shape_cast %reduce_min3A_39 : vector<1xf32> to vector<1x1x1xf32>
      %reduce_min3A_41 = vector.extract %reduce_min3A_40[0, 0, 0] : f32 from vector<1x1x1xf32>
      %get3A_42 = arith.constant 0 : index
      %get3A_43 = arith.constant 0 : index
      %get3A_44 = vector.load %arg5[%get3A_42, %get3A_43] : memref<8x1024xf32, #tpu.memory_space<vmem>>, vector<1x1024xf32>
      %get3A_45 = vector.shape_cast %get3A_44 : vector<1x1024xf32> to vector<1024xf32>
      %reduce_max3A_46 = vector.shape_cast %get3A_45 : vector<1024xf32> to vector<1x1024xf32>
      %reduce_max3A_47 = arith.constant dense<0xFF800000> : vector<1xf32>
      %reduce_max3A_48 = vector.multi_reduction <maximumf>, %reduce_max3A_46, %reduce_max3A_47 [1] : vector<1x1024xf32> to vector<1xf32>
      %reduce_max3A_49 = vector.shape_cast %reduce_max3A_48 : vector<1xf32> to vector<1x1xf32>
      %reduce_max3A_50 = vector.extract %reduce_max3A_49[0, 0] : f32 from vector<1x1xf32>
      %sub3A = arith.subf %reduce_max3A_50, %reduce_min3A_41 : f32
      %gt3A_51 = arith.constant 0.000000e+00 : f32
      %gt3A_52 = arith.cmpf ogt, %sub3A, %gt3A_51 : f32
      %jit3A_53 = arith.constant 0 : i32
      %jit3A_54 = arith.constant 1 : i32
      %select_n3A_55 = arith.select %gt3A_52, %jit3A_53, %jit3A_54 : i32
      %add3A = arith.constant 0 : i32
      %add3A_56 = arith.addi %add3A, %select_n3A_55 : i32
      %get3A_57 = arith.constant 1 : index
      %get3A_58 = arith.constant 0 : index
      %get3A_59 = vector.load %arg5[%get3A_57, %get3A_58] : memref<8x1024xf32, #tpu.memory_space<vmem>>, vector<1x1024xf32>
      %get3A_60 = vector.shape_cast %get3A_59 : vector<1x1024xf32> to vector<1024xf32>
      %reduce_max3A_61 = vector.shape_cast %get3A_60 : vector<1024xf32> to vector<1x1024xf32>
      %reduce_max3A_62 = arith.constant dense<0xFF800000> : vector<1xf32>
      %reduce_max3A_63 = vector.multi_reduction <maximumf>, %reduce_max3A_61, %reduce_max3A_62 [1] : vector<1x1024xf32> to vector<1xf32>
      %reduce_max3A_64 = vector.shape_cast %reduce_max3A_63 : vector<1xf32> to vector<1x1xf32>
      %reduce_max3A_65 = vector.extract %reduce_max3A_64[0, 0] : f32 from vector<1x1xf32>
      %sub3A_66 = arith.subf %reduce_max3A_65, %reduce_min3A_41 : f32
      %gt3A_67 = arith.constant 0.000000e+00 : f32
      %gt3A_68 = arith.cmpf ogt, %sub3A_66, %gt3A_67 : f32
      %jit3A_69 = arith.constant 0 : i32
      %jit3A_70 = arith.constant 1 : i32
      %select_n3A_71 = arith.select %gt3A_68, %jit3A_69, %jit3A_70 : i32
      %add3A_72 = arith.addi %add3A_56, %select_n3A_71 : i32
      %get3A_73 = arith.constant 2 : index
      %get3A_74 = arith.constant 0 : index
      %get3A_75 = vector.load %arg5[%get3A_73, %get3A_74] : memref<8x1024xf32, #tpu.memory_space<vmem>>, vector<1x1024xf32>
      %get3A_76 = vector.shape_cast %get3A_75 : vector<1x1024xf32> to vector<1024xf32>
      %reduce_max3A_77 = vector.shape_cast %get3A_76 : vector<1024xf32> to vector<1x1024xf32>
      %reduce_max3A_78 = arith.constant dense<0xFF800000> : vector<1xf32>
      %reduce_max3A_79 = vector.multi_reduction <maximumf>, %reduce_max3A_77, %reduce_max3A_78 [1] : vector<1x1024xf32> to vector<1xf32>
      %reduce_max3A_80 = vector.shape_cast %reduce_max3A_79 : vector<1xf32> to vector<1x1xf32>
      %reduce_max3A_81 = vector.extract %reduce_max3A_80[0, 0] : f32 from vector<1x1xf32>
      %sub3A_82 = arith.subf %reduce_max3A_81, %reduce_min3A_41 : f32
      %gt3A_83 = arith.constant 0.000000e+00 : f32
      %gt3A_84 = arith.cmpf ogt, %sub3A_82, %gt3A_83 : f32
      %jit3A_85 = arith.constant 0 : i32
      %jit3A_86 = arith.constant 1 : i32
      %select_n3A_87 = arith.select %gt3A_84, %jit3A_85, %jit3A_86 : i32
      %add3A_88 = arith.addi %add3A_72, %select_n3A_87 : i32
      %get3A_89 = arith.constant 3 : index
      %get3A_90 = arith.constant 0 : index
      %get3A_91 = vector.load %arg5[%get3A_89, %get3A_90] : memref<8x1024xf32, #tpu.memory_space<vmem>>, vector<1x1024xf32>
      %get3A_92 = vector.shape_cast %get3A_91 : vector<1x1024xf32> to vector<1024xf32>
      %reduce_max3A_93 = vector.shape_cast %get3A_92 : vector<1024xf32> to vector<1x1024xf32>
      %reduce_max3A_94 = arith.constant dense<0xFF800000> : vector<1xf32>
      %reduce_max3A_95 = vector.multi_reduction <maximumf>, %reduce_max3A_93, %reduce_max3A_94 [1] : vector<1x1024xf32> to vector<1xf32>
      %reduce_max3A_96 = vector.shape_cast %reduce_max3A_95 : vector<1xf32> to vector<1x1xf32>
      %reduce_max3A_97 = vector.extract %reduce_max3A_96[0, 0] : f32 from vector<1x1xf32>
      %sub3A_98 = arith.subf %reduce_max3A_97, %reduce_min3A_41 : f32
      %gt3A_99 = arith.constant 0.000000e+00 : f32
      %gt3A_100 = arith.cmpf ogt, %sub3A_98, %gt3A_99 : f32
      %jit3A_101 = arith.constant 0 : i32
      %jit3A_102 = arith.constant 1 : i32
      %select_n3A_103 = arith.select %gt3A_100, %jit3A_101, %jit3A_102 : i32
      %add3A_104 = arith.addi %add3A_88, %select_n3A_103 : i32
      %get3A_105 = arith.constant 4 : index
      %get3A_106 = arith.constant 0 : index
      %get3A_107 = vector.load %arg5[%get3A_105, %get3A_106] : memref<8x1024xf32, #tpu.memory_space<vmem>>, vector<1x1024xf32>
      %get3A_108 = vector.shape_cast %get3A_107 : vector<1x1024xf32> to vector<1024xf32>
      %reduce_max3A_109 = vector.shape_cast %get3A_108 : vector<1024xf32> to vector<1x1024xf32>
      %reduce_max3A_110 = arith.constant dense<0xFF800000> : vector<1xf32>
      %reduce_max3A_111 = vector.multi_reduction <maximumf>, %reduce_max3A_109, %reduce_max3A_110 [1] : vector<1x1024xf32> to vector<1xf32>
      %reduce_max3A_112 = vector.shape_cast %reduce_max3A_111 : vector<1xf32> to vector<1x1xf32>
      %reduce_max3A_113 = vector.extract %reduce_max3A_112[0, 0] : f32 from vector<1x1xf32>
      %sub3A_114 = arith.subf %reduce_max3A_113, %reduce_min3A_41 : f32
      %gt3A_115 = arith.constant 0.000000e+00 : f32
      %gt3A_116 = arith.cmpf ogt, %sub3A_114, %gt3A_115 : f32
      %jit3A_117 = arith.constant 0 : i32
      %jit3A_118 = arith.constant 1 : i32
      %select_n3A_119 = arith.select %gt3A_116, %jit3A_117, %jit3A_118 : i32
      %add3A_120 = arith.addi %add3A_104, %select_n3A_119 : i32
      %get3A_121 = arith.constant 5 : index
      %get3A_122 = arith.constant 0 : index
      %get3A_123 = vector.load %arg5[%get3A_121, %get3A_122] : memref<8x1024xf32, #tpu.memory_space<vmem>>, vector<1x1024xf32>
      %get3A_124 = vector.shape_cast %get3A_123 : vector<1x1024xf32> to vector<1024xf32>
      %reduce_max3A_125 = vector.shape_cast %get3A_124 : vector<1024xf32> to vector<1x1024xf32>
      %reduce_max3A_126 = arith.constant dense<0xFF800000> : vector<1xf32>
      %reduce_max3A_127 = vector.multi_reduction <maximumf>, %reduce_max3A_125, %reduce_max3A_126 [1] : vector<1x1024xf32> to vector<1xf32>
      %reduce_max3A_128 = vector.shape_cast %reduce_max3A_127 : vector<1xf32> to vector<1x1xf32>
      %reduce_max3A_129 = vector.extract %reduce_max3A_128[0, 0] : f32 from vector<1x1xf32>
      %sub3A_130 = arith.subf %reduce_max3A_129, %reduce_min3A_41 : f32
      %gt3A_131 = arith.constant 0.000000e+00 : f32
      %gt3A_132 = arith.cmpf ogt, %sub3A_130, %gt3A_131 : f32
      %jit3A_133 = arith.constant 0 : i32
      %jit3A_134 = arith.constant 1 : i32
      %select_n3A_135 = arith.select %gt3A_132, %jit3A_133, %jit3A_134 : i32
      %add3A_136 = arith.addi %add3A_120, %select_n3A_135 : i32
      %get3A_137 = arith.constant 6 : index
      %get3A_138 = arith.constant 0 : index
      %get3A_139 = vector.load %arg5[%get3A_137, %get3A_138] : memref<8x1024xf32, #tpu.memory_space<vmem>>, vector<1x1024xf32>
      %get3A_140 = vector.shape_cast %get3A_139 : vector<1x1024xf32> to vector<1024xf32>
      %reduce_max3A_141 = vector.shape_cast %get3A_140 : vector<1024xf32> to vector<1x1024xf32>
      %reduce_max3A_142 = arith.constant dense<0xFF800000> : vector<1xf32>
      %reduce_max3A_143 = vector.multi_reduction <maximumf>, %reduce_max3A_141, %reduce_max3A_142 [1] : vector<1x1024xf32> to vector<1xf32>
      %reduce_max3A_144 = vector.shape_cast %reduce_max3A_143 : vector<1xf32> to vector<1x1xf32>
      %reduce_max3A_145 = vector.extract %reduce_max3A_144[0, 0] : f32 from vector<1x1xf32>
      %sub3A_146 = arith.subf %reduce_max3A_145, %reduce_min3A_41 : f32
      %gt3A_147 = arith.constant 0.000000e+00 : f32
      %gt3A_148 = arith.cmpf ogt, %sub3A_146, %gt3A_147 : f32
      %jit3A_149 = arith.constant 0 : i32
      %jit3A_150 = arith.constant 1 : i32
      %select_n3A_151 = arith.select %gt3A_148, %jit3A_149, %jit3A_150 : i32
      %add3A_152 = arith.addi %add3A_136, %select_n3A_151 : i32
      %get3A_153 = arith.constant 7 : index
      %get3A_154 = arith.constant 0 : index
      %get3A_155 = vector.load %arg5[%get3A_153, %get3A_154] : memref<8x1024xf32, #tpu.memory_space<vmem>>, vector<1x1024xf32>
      %get3A_156 = vector.shape_cast %get3A_155 : vector<1x1024xf32> to vector<1024xf32>
      %reduce_max3A_157 = vector.shape_cast %get3A_156 : vector<1024xf32> to vector<1x1024xf32>
      %reduce_max3A_158 = arith.constant dense<0xFF800000> : vector<1xf32>
      %reduce_max3A_159 = vector.multi_reduction <maximumf>, %reduce_max3A_157, %reduce_max3A_158 [1] : vector<1x1024xf32> to vector<1xf32>
      %reduce_max3A_160 = vector.shape_cast %reduce_max3A_159 : vector<1xf32> to vector<1x1xf32>
      %reduce_max3A_161 = vector.extract %reduce_max3A_160[0, 0] : f32 from vector<1x1xf32>
      %sub3A_162 = arith.subf %reduce_max3A_161, %reduce_min3A_41 : f32
      %gt3A_163 = arith.constant 0.000000e+00 : f32
      %gt3A_164 = arith.cmpf ogt, %sub3A_162, %gt3A_163 : f32
      %jit3A_165 = arith.constant 0 : i32
      %jit3A_166 = arith.constant 1 : i32
      %select_n3A_167 = arith.select %gt3A_164, %jit3A_165, %jit3A_166 : i32
      %add3A_168 = arith.addi %add3A_152, %select_n3A_167 : i32
      %iota3A = tpu.iota {dimensions = array<i32: 1>} : vector<128x1024xi32>
      %broadcast_in_dim3A_169 = arith.constant 0.000000e+00 : f32
      %broadcast_in_dim3A_170 = vector.broadcast %broadcast_in_dim3A_169 : f32 to vector<128x1xf32>
      %broadcast_in_dim3A_171 = arith.constant 0 : i32
      %broadcast_in_dim3A_172 = vector.broadcast %broadcast_in_dim3A_171 : i32 to vector<128x1xi32>
      %while3A = arith.constant 8 : i32
      %while3A_173 = arith.subi %while3A, %add3A_168 : i32
      %while3A_174 = arith.addi %add3A_168, %while3A_173 : i32
      %while3A_175 = arith.constant 1 : i32
      %while3A_176 = arith.divsi %while3A_173, %while3A_175 : i32
      %while3A_177 = arith.muli %while3A_176, %while3A_175 : i32
      %while3A_178 = arith.addi %add3A_168, %while3A_177 : i32
      %while3A_179 = arith.constant 1 : i32
      %while3A_180:7 = scf.for %while3A_246 = %add3A_168 to %while3A_178 step %while3A_179 iter_args(%while3A_247 = %broadcast_in_dim3A_170, %while3A_248 = %broadcast_in_dim3A_170, %while3A_249 = %broadcast_in_dim3A_172, %while3A_250 = %broadcast_in_dim3A_170, %while3A_251 = %broadcast_in_dim3A_170, %while3A_252 = %broadcast_in_dim3A_172, %while3A_253 = %broadcast_in_dim3A_170) -> (vector<128x1xf32>, vector<128x1xf32>, vector<128x1xi32>, vector<128x1xf32>, vector<128x1xf32>, vector<128x1xi32>, vector<128x1xf32>)  : i32 {
        %get3A_254 = arith.index_cast %while3A_246 : i32 to index
        %get3A_255 = arith.constant 0 : index
        %get3A_256 = vector.load %arg5[%get3A_254, %get3A_255] : memref<8x1024xf32, #tpu.memory_space<vmem>>, vector<1x1024xf32>
        %get3A_257 = arith.index_cast %while3A_246 : i32 to index
        %get3A_258 = arith.constant 0 : index
        %get3A_259 = vector.load %arg7[%get3A_257, %get3A_258] : memref<8x1024xi32, #tpu.memory_space<vmem>>, vector<1x1024xi32>
        %get3A_260 = arith.index_cast %while3A_246 : i32 to index
        %get3A_261 = arith.constant 0 : index
        %get3A_262 = vector.load %arg13[%get3A_260, %get3A_261] : memref<8x1024xf32, #tpu.memory_space<vmem>>, vector<1x1024xf32>
        %mul3A_263 = arith.constant 8192 : i32
        %mul3A_264 = vector.broadcast %mul3A_263 : i32 to vector<128x1xi32>
        %mul3A_265 = arith.muli %get3A_34, %mul3A_264 : vector<128x1xi32>
        %add3A_266 = vector.broadcast %mul3A_265 : vector<128x1xi32> to vector<128x1024xi32>
        %add3A_267 = vector.broadcast %get3A_259 : vector<1x1024xi32> to vector<128x1024xi32>
        %add3A_268 = arith.addi %add3A_266, %add3A_267 : vector<128x1024xi32>
        %bitcast_convert_type3A = tpu.bitcast %add3A_268 : vector<128x1024xi32> -> vector<128x1024xi32>
        %broadcast_in_dim3A_269 = arith.constant 0 : i32
        %broadcast_in_dim3A_270 = vector.broadcast %broadcast_in_dim3A_269 : i32 to vector<128x1024xi32>
        %add3A_271 = arith.constant 0 : i32
        %add3A_272 = vector.broadcast %add3A_271 : i32 to vector<128x1024xi32>
        %add3A_273 = arith.addi %broadcast_in_dim3A_270, %add3A_272 : vector<128x1024xi32>
        %add3A_274 = arith.constant 1234 : i32
        %add3A_275 = vector.broadcast %add3A_274 : i32 to vector<128x1024xi32>
        %add3A_276 = arith.addi %bitcast_convert_type3A, %add3A_275 : vector<128x1024xi32>
        %add3A_277 = arith.addi %add3A_273, %add3A_276 : vector<128x1024xi32>
        %shift_left3A = arith.constant 13 : i32
        %shift_left3A_278 = vector.broadcast %shift_left3A : i32 to vector<128x1024xi32>
        %shift_left3A_279 = arith.shli %add3A_276, %shift_left3A_278 : vector<128x1024xi32>
        %shift_right_logical3A = arith.constant 19 : i32
        %shift_right_logical3A_280 = vector.broadcast %shift_right_logical3A : i32 to vector<128x1024xi32>
        %shift_right_logical3A_281 = arith.shrui %add3A_276, %shift_right_logical3A_280 : vector<128x1024xi32>
        %or3A = arith.ori %shift_left3A_279, %shift_right_logical3A_281 : vector<128x1024xi32>
        %xor3A = arith.xori %or3A, %add3A_277 : vector<128x1024xi32>
        %add3A_282 = arith.addi %add3A_277, %xor3A : vector<128x1024xi32>
        %shift_left3A_283 = arith.constant 15 : i32
        %shift_left3A_284 = vector.broadcast %shift_left3A_283 : i32 to vector<128x1024xi32>
        %shift_left3A_285 = arith.shli %xor3A, %shift_left3A_284 : vector<128x1024xi32>
        %shift_right_logical3A_286 = arith.constant 17 : i32
        %shift_right_logical3A_287 = vector.broadcast %shift_right_logical3A_286 : i32 to vector<128x1024xi32>
        %shift_right_logical3A_288 = arith.shrui %xor3A, %shift_right_logical3A_287 : vector<128x1024xi32>
        %or3A_289 = arith.ori %shift_left3A_285, %shift_right_logical3A_288 : vector<128x1024xi32>
        %xor3A_290 = arith.xori %or3A_289, %add3A_282 : vector<128x1024xi32>
        %add3A_291 = arith.addi %add3A_282, %xor3A_290 : vector<128x1024xi32>
        %shift_left3A_292 = arith.constant 26 : i32
        %shift_left3A_293 = vector.broadcast %shift_left3A_292 : i32 to vector<128x1024xi32>
        %shift_left3A_294 = arith.shli %xor3A_290, %shift_left3A_293 : vector<128x1024xi32>
        %shift_right_logical3A_295 = arith.constant 6 : i32
        %shift_right_logical3A_296 = vector.broadcast %shift_right_logical3A_295 : i32 to vector<128x1024xi32>
        %shift_right_logical3A_297 = arith.shrui %xor3A_290, %shift_right_logical3A_296 : vector<128x1024xi32>
        %or3A_298 = arith.ori %shift_left3A_294, %shift_right_logical3A_297 : vector<128x1024xi32>
        %xor3A_299 = arith.xori %or3A_298, %add3A_291 : vector<128x1024xi32>
        %add3A_300 = arith.addi %add3A_291, %xor3A_299 : vector<128x1024xi32>
        %shift_left3A_301 = arith.constant 6 : i32
        %shift_left3A_302 = vector.broadcast %shift_left3A_301 : i32 to vector<128x1024xi32>
        %shift_left3A_303 = arith.shli %xor3A_299, %shift_left3A_302 : vector<128x1024xi32>
        %shift_right_logical3A_304 = arith.constant 26 : i32
        %shift_right_logical3A_305 = vector.broadcast %shift_right_logical3A_304 : i32 to vector<128x1024xi32>
        %shift_right_logical3A_306 = arith.shrui %xor3A_299, %shift_right_logical3A_305 : vector<128x1024xi32>
        %or3A_307 = arith.ori %shift_left3A_303, %shift_right_logical3A_306 : vector<128x1024xi32>
        %xor3A_308 = arith.xori %or3A_307, %add3A_300 : vector<128x1024xi32>
        %add3A_309 = arith.constant 1234 : i32
        %add3A_310 = vector.broadcast %add3A_309 : i32 to vector<128x1024xi32>
        %add3A_311 = arith.addi %add3A_300, %add3A_310 : vector<128x1024xi32>
        %add3A_312 = arith.constant 466689801 : i32
        %add3A_313 = vector.broadcast %add3A_312 : i32 to vector<128x1024xi32>
        %add3A_314 = arith.addi %xor3A_308, %add3A_313 : vector<128x1024xi32>
        %add3A_315 = arith.addi %add3A_311, %add3A_314 : vector<128x1024xi32>
        %shift_left3A_316 = arith.constant 17 : i32
        %shift_left3A_317 = vector.broadcast %shift_left3A_316 : i32 to vector<128x1024xi32>
        %shift_left3A_318 = arith.shli %add3A_314, %shift_left3A_317 : vector<128x1024xi32>
        %shift_right_logical3A_319 = arith.constant 15 : i32
        %shift_right_logical3A_320 = vector.broadcast %shift_right_logical3A_319 : i32 to vector<128x1024xi32>
        %shift_right_logical3A_321 = arith.shrui %add3A_314, %shift_right_logical3A_320 : vector<128x1024xi32>
        %or3A_322 = arith.ori %shift_left3A_318, %shift_right_logical3A_321 : vector<128x1024xi32>
        %xor3A_323 = arith.xori %or3A_322, %add3A_315 : vector<128x1024xi32>
        %add3A_324 = arith.addi %add3A_315, %xor3A_323 : vector<128x1024xi32>
        %shift_left3A_325 = arith.constant 29 : i32
        %shift_left3A_326 = vector.broadcast %shift_left3A_325 : i32 to vector<128x1024xi32>
        %shift_left3A_327 = arith.shli %xor3A_323, %shift_left3A_326 : vector<128x1024xi32>
        %shift_right_logical3A_328 = arith.constant 3 : i32
        %shift_right_logical3A_329 = vector.broadcast %shift_right_logical3A_328 : i32 to vector<128x1024xi32>
        %shift_right_logical3A_330 = arith.shrui %xor3A_323, %shift_right_logical3A_329 : vector<128x1024xi32>
        %or3A_331 = arith.ori %shift_left3A_327, %shift_right_logical3A_330 : vector<128x1024xi32>
        %xor3A_332 = arith.xori %or3A_331, %add3A_324 : vector<128x1024xi32>
        %add3A_333 = arith.addi %add3A_324, %xor3A_332 : vector<128x1024xi32>
        %shift_left3A_334 = arith.constant 16 : i32
        %shift_left3A_335 = vector.broadcast %shift_left3A_334 : i32 to vector<128x1024xi32>
        %shift_left3A_336 = arith.shli %xor3A_332, %shift_left3A_335 : vector<128x1024xi32>
        %shift_right_logical3A_337 = arith.constant 16 : i32
        %shift_right_logical3A_338 = vector.broadcast %shift_right_logical3A_337 : i32 to vector<128x1024xi32>
        %shift_right_logical3A_339 = arith.shrui %xor3A_332, %shift_right_logical3A_338 : vector<128x1024xi32>
        %or3A_340 = arith.ori %shift_left3A_336, %shift_right_logical3A_339 : vector<128x1024xi32>
        %xor3A_341 = arith.xori %or3A_340, %add3A_333 : vector<128x1024xi32>
        %add3A_342 = arith.addi %add3A_333, %xor3A_341 : vector<128x1024xi32>
        %shift_left3A_343 = arith.constant 24 : i32
        %shift_left3A_344 = vector.broadcast %shift_left3A_343 : i32 to vector<128x1024xi32>
        %shift_left3A_345 = arith.shli %xor3A_341, %shift_left3A_344 : vector<128x1024xi32>
        %shift_right_logical3A_346 = arith.constant 8 : i32
        %shift_right_logical3A_347 = vector.broadcast %shift_right_logical3A_346 : i32 to vector<128x1024xi32>
        %shift_right_logical3A_348 = arith.shrui %xor3A_341, %shift_right_logical3A_347 : vector<128x1024xi32>
        %or3A_349 = arith.ori %shift_left3A_345, %shift_right_logical3A_348 : vector<128x1024xi32>
        %xor3A_350 = arith.xori %or3A_349, %add3A_342 : vector<128x1024xi32>
        %add3A_351 = arith.constant 466689800 : i32
        %add3A_352 = vector.broadcast %add3A_351 : i32 to vector<128x1024xi32>
        %add3A_353 = arith.addi %add3A_342, %add3A_352 : vector<128x1024xi32>
        %add3A_354 = arith.constant 2 : i32
        %add3A_355 = vector.broadcast %add3A_354 : i32 to vector<128x1024xi32>
        %add3A_356 = arith.addi %xor3A_350, %add3A_355 : vector<128x1024xi32>
        %add3A_357 = arith.addi %add3A_353, %add3A_356 : vector<128x1024xi32>
        %shift_left3A_358 = arith.constant 13 : i32
        %shift_left3A_359 = vector.broadcast %shift_left3A_358 : i32 to vector<128x1024xi32>
        %shift_left3A_360 = arith.shli %add3A_356, %shift_left3A_359 : vector<128x1024xi32>
        %shift_right_logical3A_361 = arith.constant 19 : i32
        %shift_right_logical3A_362 = vector.broadcast %shift_right_logical3A_361 : i32 to vector<128x1024xi32>
        %shift_right_logical3A_363 = arith.shrui %add3A_356, %shift_right_logical3A_362 : vector<128x1024xi32>
        %or3A_364 = arith.ori %shift_left3A_360, %shift_right_logical3A_363 : vector<128x1024xi32>
        %xor3A_365 = arith.xori %or3A_364, %add3A_357 : vector<128x1024xi32>
        %add3A_366 = arith.addi %add3A_357, %xor3A_365 : vector<128x1024xi32>
        %shift_left3A_367 = arith.constant 15 : i32
        %shift_left3A_368 = vector.broadcast %shift_left3A_367 : i32 to vector<128x1024xi32>
        %shift_left3A_369 = arith.shli %xor3A_365, %shift_left3A_368 : vector<128x1024xi32>
        %shift_right_logical3A_370 = arith.constant 17 : i32
        %shift_right_logical3A_371 = vector.broadcast %shift_right_logical3A_370 : i32 to vector<128x1024xi32>
        %shift_right_logical3A_372 = arith.shrui %xor3A_365, %shift_right_logical3A_371 : vector<128x1024xi32>
        %or3A_373 = arith.ori %shift_left3A_369, %shift_right_logical3A_372 : vector<128x1024xi32>
        %xor3A_374 = arith.xori %or3A_373, %add3A_366 : vector<128x1024xi32>
        %add3A_375 = arith.addi %add3A_366, %xor3A_374 : vector<128x1024xi32>
        %shift_left3A_376 = arith.constant 26 : i32
        %shift_left3A_377 = vector.broadcast %shift_left3A_376 : i32 to vector<128x1024xi32>
        %shift_left3A_378 = arith.shli %xor3A_374, %shift_left3A_377 : vector<128x1024xi32>
        %shift_right_logical3A_379 = arith.constant 6 : i32
        %shift_right_logical3A_380 = vector.broadcast %shift_right_logical3A_379 : i32 to vector<128x1024xi32>
        %shift_right_logical3A_381 = arith.shrui %xor3A_374, %shift_right_logical3A_380 : vector<128x1024xi32>
        %or3A_382 = arith.ori %shift_left3A_378, %shift_right_logical3A_381 : vector<128x1024xi32>
        %xor3A_383 = arith.xori %or3A_382, %add3A_375 : vector<128x1024xi32>
        %add3A_384 = arith.addi %add3A_375, %xor3A_383 : vector<128x1024xi32>
        %shift_left3A_385 = arith.constant 6 : i32
        %shift_left3A_386 = vector.broadcast %shift_left3A_385 : i32 to vector<128x1024xi32>
        %shift_left3A_387 = arith.shli %xor3A_383, %shift_left3A_386 : vector<128x1024xi32>
        %shift_right_logical3A_388 = arith.constant 26 : i32
        %shift_right_logical3A_389 = vector.broadcast %shift_right_logical3A_388 : i32 to vector<128x1024xi32>
        %shift_right_logical3A_390 = arith.shrui %xor3A_383, %shift_right_logical3A_389 : vector<128x1024xi32>
        %or3A_391 = arith.ori %shift_left3A_387, %shift_right_logical3A_390 : vector<128x1024xi32>
        %xor3A_392 = arith.xori %or3A_391, %add3A_384 : vector<128x1024xi32>
        %add3A_393 = arith.constant 0 : i32
        %add3A_394 = vector.broadcast %add3A_393 : i32 to vector<128x1024xi32>
        %add3A_395 = arith.addi %add3A_384, %add3A_394 : vector<128x1024xi32>
        %add3A_396 = arith.constant 1237 : i32
        %add3A_397 = vector.broadcast %add3A_396 : i32 to vector<128x1024xi32>
        %add3A_398 = arith.addi %xor3A_392, %add3A_397 : vector<128x1024xi32>
        %add3A_399 = arith.addi %add3A_395, %add3A_398 : vector<128x1024xi32>
        %shift_left3A_400 = arith.constant 17 : i32
        %shift_left3A_401 = vector.broadcast %shift_left3A_400 : i32 to vector<128x1024xi32>
        %shift_left3A_402 = arith.shli %add3A_398, %shift_left3A_401 : vector<128x1024xi32>
        %shift_right_logical3A_403 = arith.constant 15 : i32
        %shift_right_logical3A_404 = vector.broadcast %shift_right_logical3A_403 : i32 to vector<128x1024xi32>
        %shift_right_logical3A_405 = arith.shrui %add3A_398, %shift_right_logical3A_404 : vector<128x1024xi32>
        %or3A_406 = arith.ori %shift_left3A_402, %shift_right_logical3A_405 : vector<128x1024xi32>
        %xor3A_407 = arith.xori %or3A_406, %add3A_399 : vector<128x1024xi32>
        %add3A_408 = arith.addi %add3A_399, %xor3A_407 : vector<128x1024xi32>
        %shift_left3A_409 = arith.constant 29 : i32
        %shift_left3A_410 = vector.broadcast %shift_left3A_409 : i32 to vector<128x1024xi32>
        %shift_left3A_411 = arith.shli %xor3A_407, %shift_left3A_410 : vector<128x1024xi32>
        %shift_right_logical3A_412 = arith.constant 3 : i32
        %shift_right_logical3A_413 = vector.broadcast %shift_right_logical3A_412 : i32 to vector<128x1024xi32>
        %shift_right_logical3A_414 = arith.shrui %xor3A_407, %shift_right_logical3A_413 : vector<128x1024xi32>
        %or3A_415 = arith.ori %shift_left3A_411, %shift_right_logical3A_414 : vector<128x1024xi32>
        %xor3A_416 = arith.xori %or3A_415, %add3A_408 : vector<128x1024xi32>
        %add3A_417 = arith.addi %add3A_408, %xor3A_416 : vector<128x1024xi32>
        %shift_left3A_418 = arith.constant 16 : i32
        %shift_left3A_419 = vector.broadcast %shift_left3A_418 : i32 to vector<128x1024xi32>
        %shift_left3A_420 = arith.shli %xor3A_416, %shift_left3A_419 : vector<128x1024xi32>
        %shift_right_logical3A_421 = arith.constant 16 : i32
        %shift_right_logical3A_422 = vector.broadcast %shift_right_logical3A_421 : i32 to vector<128x1024xi32>
        %shift_right_logical3A_423 = arith.shrui %xor3A_416, %shift_right_logical3A_422 : vector<128x1024xi32>
        %or3A_424 = arith.ori %shift_left3A_420, %shift_right_logical3A_423 : vector<128x1024xi32>
        %xor3A_425 = arith.xori %or3A_424, %add3A_417 : vector<128x1024xi32>
        %add3A_426 = arith.addi %add3A_417, %xor3A_425 : vector<128x1024xi32>
        %shift_left3A_427 = arith.constant 24 : i32
        %shift_left3A_428 = vector.broadcast %shift_left3A_427 : i32 to vector<128x1024xi32>
        %shift_left3A_429 = arith.shli %xor3A_425, %shift_left3A_428 : vector<128x1024xi32>
        %shift_right_logical3A_430 = arith.constant 8 : i32
        %shift_right_logical3A_431 = vector.broadcast %shift_right_logical3A_430 : i32 to vector<128x1024xi32>
        %shift_right_logical3A_432 = arith.shrui %xor3A_425, %shift_right_logical3A_431 : vector<128x1024xi32>
        %or3A_433 = arith.ori %shift_left3A_429, %shift_right_logical3A_432 : vector<128x1024xi32>
        %xor3A_434 = arith.xori %or3A_433, %add3A_426 : vector<128x1024xi32>
        %add3A_435 = arith.constant 1234 : i32
        %add3A_436 = vector.broadcast %add3A_435 : i32 to vector<128x1024xi32>
        %add3A_437 = arith.addi %add3A_426, %add3A_436 : vector<128x1024xi32>
        %add3A_438 = arith.constant 466689804 : i32
        %add3A_439 = vector.broadcast %add3A_438 : i32 to vector<128x1024xi32>
        %add3A_440 = arith.addi %xor3A_434, %add3A_439 : vector<128x1024xi32>
        %add3A_441 = arith.addi %add3A_437, %add3A_440 : vector<128x1024xi32>
        %shift_left3A_442 = arith.constant 13 : i32
        %shift_left3A_443 = vector.broadcast %shift_left3A_442 : i32 to vector<128x1024xi32>
        %shift_left3A_444 = arith.shli %add3A_440, %shift_left3A_443 : vector<128x1024xi32>
        %shift_right_logical3A_445 = arith.constant 19 : i32
        %shift_right_logical3A_446 = vector.broadcast %shift_right_logical3A_445 : i32 to vector<128x1024xi32>
        %shift_right_logical3A_447 = arith.shrui %add3A_440, %shift_right_logical3A_446 : vector<128x1024xi32>
        %or3A_448 = arith.ori %shift_left3A_444, %shift_right_logical3A_447 : vector<128x1024xi32>
        %xor3A_449 = arith.xori %or3A_448, %add3A_441 : vector<128x1024xi32>
        %add3A_450 = arith.addi %add3A_441, %xor3A_449 : vector<128x1024xi32>
        %shift_left3A_451 = arith.constant 15 : i32
        %shift_left3A_452 = vector.broadcast %shift_left3A_451 : i32 to vector<128x1024xi32>
        %shift_left3A_453 = arith.shli %xor3A_449, %shift_left3A_452 : vector<128x1024xi32>
        %shift_right_logical3A_454 = arith.constant 17 : i32
        %shift_right_logical3A_455 = vector.broadcast %shift_right_logical3A_454 : i32 to vector<128x1024xi32>
        %shift_right_logical3A_456 = arith.shrui %xor3A_449, %shift_right_logical3A_455 : vector<128x1024xi32>
        %or3A_457 = arith.ori %shift_left3A_453, %shift_right_logical3A_456 : vector<128x1024xi32>
        %xor3A_458 = arith.xori %or3A_457, %add3A_450 : vector<128x1024xi32>
        %add3A_459 = arith.addi %add3A_450, %xor3A_458 : vector<128x1024xi32>
        %shift_left3A_460 = arith.constant 26 : i32
        %shift_left3A_461 = vector.broadcast %shift_left3A_460 : i32 to vector<128x1024xi32>
        %shift_left3A_462 = arith.shli %xor3A_458, %shift_left3A_461 : vector<128x1024xi32>
        %shift_right_logical3A_463 = arith.constant 6 : i32
        %shift_right_logical3A_464 = vector.broadcast %shift_right_logical3A_463 : i32 to vector<128x1024xi32>
        %shift_right_logical3A_465 = arith.shrui %xor3A_458, %shift_right_logical3A_464 : vector<128x1024xi32>
        %or3A_466 = arith.ori %shift_left3A_462, %shift_right_logical3A_465 : vector<128x1024xi32>
        %xor3A_467 = arith.xori %or3A_466, %add3A_459 : vector<128x1024xi32>
        %add3A_468 = arith.addi %add3A_459, %xor3A_467 : vector<128x1024xi32>
        %shift_left3A_469 = arith.constant 6 : i32
        %shift_left3A_470 = vector.broadcast %shift_left3A_469 : i32 to vector<128x1024xi32>
        %shift_left3A_471 = arith.shli %xor3A_467, %shift_left3A_470 : vector<128x1024xi32>
        %shift_right_logical3A_472 = arith.constant 26 : i32
        %shift_right_logical3A_473 = vector.broadcast %shift_right_logical3A_472 : i32 to vector<128x1024xi32>
        %shift_right_logical3A_474 = arith.shrui %xor3A_467, %shift_right_logical3A_473 : vector<128x1024xi32>
        %or3A_475 = arith.ori %shift_left3A_471, %shift_right_logical3A_474 : vector<128x1024xi32>
        %xor3A_476 = arith.xori %or3A_475, %add3A_468 : vector<128x1024xi32>
        %add3A_477 = arith.constant 466689800 : i32
        %add3A_478 = vector.broadcast %add3A_477 : i32 to vector<128x1024xi32>
        %add3A_479 = arith.addi %add3A_468, %add3A_478 : vector<128x1024xi32>
        %add3A_480 = arith.constant 5 : i32
        %add3A_481 = vector.broadcast %add3A_480 : i32 to vector<128x1024xi32>
        %add3A_482 = arith.addi %xor3A_476, %add3A_481 : vector<128x1024xi32>
        %xor3A_483 = arith.xori %add3A_479, %add3A_482 : vector<128x1024xi32>
        %shift_right_logical3A_484 = arith.constant 9 : i32
        %shift_right_logical3A_485 = vector.broadcast %shift_right_logical3A_484 : i32 to vector<128x1024xi32>
        %shift_right_logical3A_486 = arith.shrui %xor3A_483, %shift_right_logical3A_485 : vector<128x1024xi32>
        %or3A_487 = arith.constant 1065353216 : i32
        %or3A_488 = vector.broadcast %or3A_487 : i32 to vector<128x1024xi32>
        %or3A_489 = arith.ori %shift_right_logical3A_486, %or3A_488 : vector<128x1024xi32>
        %bitcast_convert_type3A_490 = tpu.bitcast %or3A_489 : vector<128x1024xi32> -> vector<128x1024xf32>
        %sub3A_491 = arith.constant 1.000000e+00 : f32
        %sub3A_492 = vector.broadcast %sub3A_491 : f32 to vector<128x1024xf32>
        %sub3A_493 = arith.subf %bitcast_convert_type3A_490, %sub3A_492 : vector<128x1024xf32>
        %sub3A_494 = vector.broadcast %get3A_256 : vector<1x1024xf32> to vector<128x1024xf32>
        %sub3A_495 = vector.broadcast %get3A_31 : vector<128x1xf32> to vector<128x1024xf32>
        %sub3A_496 = arith.subf %sub3A_494, %sub3A_495 : vector<128x1024xf32>
        %gt3A_497 = arith.constant 0.000000e+00 : f32
        %gt3A_498 = vector.broadcast %gt3A_497 : f32 to vector<128x1024xf32>
        %gt3A_499 = arith.cmpf ogt, %sub3A_496, %gt3A_498 : vector<128x1024xf32>
        %gt3A_500 = arith.constant 0.000000e+00 : f32
        %gt3A_501 = vector.broadcast %gt3A_500 : f32 to vector<128x1xf32>
        %gt3A_502 = arith.cmpf ogt, %get3A_11, %gt3A_501 : vector<128x1xf32>
        %and3A = vector.broadcast %gt3A_502 : vector<128x1xi1> to vector<128x1024xi1>
        %and3A_503 = arith.andi %gt3A_499, %and3A : vector<128x1024xi1>
        %add3A_504 = arith.constant 1.000000e+00 : f32
        %add3A_505 = vector.broadcast %add3A_504 : f32 to vector<128x1024xf32>
        %add3A_506 = arith.addf %add3A_505, %sub3A_493 : vector<128x1024xf32>
        %jit3A_507 = arith.constant 0.000000e+00 : f32
        %broadcast_in_dim3A_508 = vector.broadcast %jit3A_507 : f32 to vector<128x1024xf32>
        %select_n3A_509 = arith.select %and3A_503, %add3A_506, %broadcast_in_dim3A_508 : vector<128x1024xi1>, vector<128x1024xf32>
        %mul3A_510 = arith.constant 1024 : i32
        %mul3A_511 = arith.muli %while3A_246, %mul3A_510 : i32
        %reduce_max3A_512 = arith.constant dense<0xFF800000> : vector<128xf32>
        %reduce_max3A_513 = vector.multi_reduction <maximumf>, %select_n3A_509, %reduce_max3A_512 [1] : vector<128x1024xf32> to vector<128xf32>
        %broadcast_in_dim3A_514 = vector.shape_cast %reduce_max3A_513 : vector<128xf32> to vector<128x1xf32>
        %eq3A_515 = vector.broadcast %broadcast_in_dim3A_514 : vector<128x1xf32> to vector<128x1024xf32>
        %eq3A_516 = arith.cmpf oeq, %select_n3A_509, %eq3A_515 : vector<128x1024xf32>
        %jit3A_517 = arith.constant 1024 : i32
        %broadcast_in_dim3A_518 = vector.broadcast %jit3A_517 : i32 to vector<128x1024xi32>
        %select_n3A_519 = arith.select %eq3A_516, %iota3A, %broadcast_in_dim3A_518 : vector<128x1024xi1>, vector<128x1024xi32>
        %reduce_min3A_520 = arith.constant dense<2147483647> : vector<128xi32>
        %reduce_min3A_521 = vector.multi_reduction <minsi>, %select_n3A_519, %reduce_min3A_520 [1] : vector<128x1024xi32> to vector<128xi32>
        %broadcast_in_dim3A_522 = vector.shape_cast %reduce_min3A_521 : vector<128xi32> to vector<128x1xi32>
        %eq3A_523 = vector.broadcast %broadcast_in_dim3A_522 : vector<128x1xi32> to vector<128x1024xi32>
        %eq3A_524 = arith.cmpi eq, %iota3A, %eq3A_523 : vector<128x1024xi32>
        %jit3A_525 = arith.constant 0.000000e+00 : f32
        %broadcast_in_dim3A_526 = vector.shape_cast %get3A_262 : vector<1x1024xf32> to vector<1x1024xf32>
        %broadcast_in_dim3A_527 = vector.broadcast %broadcast_in_dim3A_526 : vector<1x1024xf32> to vector<128x1024xf32>
        %broadcast_in_dim3A_528 = vector.broadcast %jit3A_525 : f32 to vector<128x1024xf32>
        %select_n3A_529 = arith.select %eq3A_524, %broadcast_in_dim3A_527, %broadcast_in_dim3A_528 : vector<128x1024xi1>, vector<128x1024xf32>
        %reduce_sum3A_530 = arith.constant dense<0.000000e+00> : vector<128xf32>
        %reduce_sum3A_531 = vector.multi_reduction <add>, %select_n3A_529, %reduce_sum3A_530 [1] : vector<128x1024xf32> to vector<128xf32>
        %broadcast_in_dim3A_532 = vector.shape_cast %reduce_sum3A_531 : vector<128xf32> to vector<128x1xf32>
        %add3A_533 = vector.broadcast %mul3A_511 : i32 to vector<128x1xi32>
        %add3A_534 = arith.addi %broadcast_in_dim3A_522, %add3A_533 : vector<128x1xi32>
        %jit3A_535 = arith.constant -1.000000e+00 : f32
        %broadcast_in_dim3A_536 = vector.broadcast %jit3A_535 : f32 to vector<128x1024xf32>
        %select_n3A_537 = arith.select %eq3A_524, %broadcast_in_dim3A_536, %select_n3A_509 : vector<128x1024xi1>, vector<128x1024xf32>
        %reduce_max3A_538 = arith.constant dense<0xFF800000> : vector<128xf32>
        %reduce_max3A_539 = vector.multi_reduction <maximumf>, %select_n3A_537, %reduce_max3A_538 [1] : vector<128x1024xf32> to vector<128xf32>
        %broadcast_in_dim3A_540 = vector.shape_cast %reduce_max3A_539 : vector<128xf32> to vector<128x1xf32>
        %eq3A_541 = vector.broadcast %broadcast_in_dim3A_540 : vector<128x1xf32> to vector<128x1024xf32>
        %eq3A_542 = arith.cmpf oeq, %select_n3A_537, %eq3A_541 : vector<128x1024xf32>
        %jit3A_543 = arith.constant 1024 : i32
        %broadcast_in_dim3A_544 = vector.broadcast %jit3A_543 : i32 to vector<128x1024xi32>
        %select_n3A_545 = arith.select %eq3A_542, %iota3A, %broadcast_in_dim3A_544 : vector<128x1024xi1>, vector<128x1024xi32>
        %reduce_min3A_546 = arith.constant dense<2147483647> : vector<128xi32>
        %reduce_min3A_547 = vector.multi_reduction <minsi>, %select_n3A_545, %reduce_min3A_546 [1] : vector<128x1024xi32> to vector<128xi32>
        %broadcast_in_dim3A_548 = vector.shape_cast %reduce_min3A_547 : vector<128xi32> to vector<128x1xi32>
        %eq3A_549 = vector.broadcast %broadcast_in_dim3A_548 : vector<128x1xi32> to vector<128x1024xi32>
        %eq3A_550 = arith.cmpi eq, %iota3A, %eq3A_549 : vector<128x1024xi32>
        %jit3A_551 = arith.constant 0.000000e+00 : f32
        %broadcast_in_dim3A_552 = vector.shape_cast %get3A_262 : vector<1x1024xf32> to vector<1x1024xf32>
        %broadcast_in_dim3A_553 = vector.broadcast %broadcast_in_dim3A_552 : vector<1x1024xf32> to vector<128x1024xf32>
        %broadcast_in_dim3A_554 = vector.broadcast %jit3A_551 : f32 to vector<128x1024xf32>
        %select_n3A_555 = arith.select %eq3A_550, %broadcast_in_dim3A_553, %broadcast_in_dim3A_554 : vector<128x1024xi1>, vector<128x1024xf32>
        %reduce_sum3A_556 = arith.constant dense<0.000000e+00> : vector<128xf32>
        %reduce_sum3A_557 = vector.multi_reduction <add>, %select_n3A_555, %reduce_sum3A_556 [1] : vector<128x1024xf32> to vector<128xf32>
        %broadcast_in_dim3A_558 = vector.shape_cast %reduce_sum3A_557 : vector<128xf32> to vector<128x1xf32>
        %add3A_559 = vector.broadcast %mul3A_511 : i32 to vector<128x1xi32>
        %add3A_560 = arith.addi %broadcast_in_dim3A_548, %add3A_559 : vector<128x1xi32>
        %jit3A_561 = arith.constant -1.000000e+00 : f32
        %broadcast_in_dim3A_562 = vector.broadcast %jit3A_561 : f32 to vector<128x1024xf32>
        %select_n3A_563 = arith.select %eq3A_550, %broadcast_in_dim3A_562, %select_n3A_537 : vector<128x1024xi1>, vector<128x1024xf32>
        %reduce_max3A_564 = arith.constant dense<0xFF800000> : vector<128xf32>
        %reduce_max3A_565 = vector.multi_reduction <maximumf>, %select_n3A_563, %reduce_max3A_564 [1] : vector<128x1024xf32> to vector<128xf32>
        %broadcast_in_dim3A_566 = vector.shape_cast %reduce_max3A_565 : vector<128xf32> to vector<128x1xf32>
        %gt3A_567 = arith.cmpf ogt, %broadcast_in_dim3A_514, %while3A_247 : vector<128x1xf32>
        %gt3A_568 = arith.cmpf ogt, %broadcast_in_dim3A_514, %while3A_250 : vector<128x1xf32>
        %gt3A_569 = arith.cmpf ogt, %broadcast_in_dim3A_514, %while3A_253 : vector<128x1xf32>
        %select_n3A_570 = arith.select %gt3A_569, %broadcast_in_dim3A_514, %while3A_253 : vector<128x1xi1>, vector<128x1xf32>
        %select_n3A_571 = arith.select %gt3A_568, %while3A_250, %select_n3A_570 : vector<128x1xi1>, vector<128x1xf32>
        %select_n3A_572 = arith.select %gt3A_568, %broadcast_in_dim3A_514, %while3A_250 : vector<128x1xi1>, vector<128x1xf32>
        %select_n3A_573 = arith.select %gt3A_567, %while3A_247, %select_n3A_572 : vector<128x1xi1>, vector<128x1xf32>
        %select_n3A_574 = arith.select %gt3A_568, %broadcast_in_dim3A_532, %while3A_251 : vector<128x1xi1>, vector<128x1xf32>
        %select_n3A_575 = arith.select %gt3A_567, %while3A_248, %select_n3A_574 : vector<128x1xi1>, vector<128x1xf32>
        %select_n3A_576 = arith.select %gt3A_568, %add3A_534, %while3A_252 : vector<128x1xi1>, vector<128x1xi32>
        %select_n3A_577 = arith.select %gt3A_567, %while3A_249, %select_n3A_576 : vector<128x1xi1>, vector<128x1xi32>
        %select_n3A_578 = arith.select %gt3A_567, %broadcast_in_dim3A_514, %while3A_247 : vector<128x1xi1>, vector<128x1xf32>
        %select_n3A_579 = arith.select %gt3A_567, %broadcast_in_dim3A_532, %while3A_248 : vector<128x1xi1>, vector<128x1xf32>
        %select_n3A_580 = arith.select %gt3A_567, %add3A_534, %while3A_249 : vector<128x1xi1>, vector<128x1xi32>
        %gt3A_581 = arith.cmpf ogt, %broadcast_in_dim3A_540, %select_n3A_578 : vector<128x1xf32>
        %gt3A_582 = arith.cmpf ogt, %broadcast_in_dim3A_540, %select_n3A_573 : vector<128x1xf32>
        %gt3A_583 = arith.cmpf ogt, %broadcast_in_dim3A_540, %select_n3A_571 : vector<128x1xf32>
        %select_n3A_584 = arith.select %gt3A_583, %broadcast_in_dim3A_540, %select_n3A_571 : vector<128x1xi1>, vector<128x1xf32>
        %select_n3A_585 = arith.select %gt3A_582, %select_n3A_573, %select_n3A_584 : vector<128x1xi1>, vector<128x1xf32>
        %select_n3A_586 = arith.select %gt3A_582, %broadcast_in_dim3A_540, %select_n3A_573 : vector<128x1xi1>, vector<128x1xf32>
        %select_n3A_587 = arith.select %gt3A_581, %select_n3A_578, %select_n3A_586 : vector<128x1xi1>, vector<128x1xf32>
        %select_n3A_588 = arith.select %gt3A_582, %broadcast_in_dim3A_558, %select_n3A_575 : vector<128x1xi1>, vector<128x1xf32>
        %select_n3A_589 = arith.select %gt3A_581, %select_n3A_579, %select_n3A_588 : vector<128x1xi1>, vector<128x1xf32>
        %select_n3A_590 = arith.select %gt3A_582, %add3A_560, %select_n3A_577 : vector<128x1xi1>, vector<128x1xi32>
        %select_n3A_591 = arith.select %gt3A_581, %select_n3A_580, %select_n3A_590 : vector<128x1xi1>, vector<128x1xi32>
        %select_n3A_592 = arith.select %gt3A_581, %broadcast_in_dim3A_540, %select_n3A_578 : vector<128x1xi1>, vector<128x1xf32>
        %select_n3A_593 = arith.select %gt3A_581, %broadcast_in_dim3A_558, %select_n3A_579 : vector<128x1xi1>, vector<128x1xf32>
        %select_n3A_594 = arith.select %gt3A_581, %add3A_560, %select_n3A_580 : vector<128x1xi1>, vector<128x1xi32>
        %gt3A_595 = arith.cmpf ogt, %broadcast_in_dim3A_566, %select_n3A_592 : vector<128x1xf32>
        %gt3A_596 = arith.cmpf ogt, %broadcast_in_dim3A_566, %select_n3A_587 : vector<128x1xf32>
        %gt3A_597 = arith.cmpf ogt, %broadcast_in_dim3A_566, %select_n3A_585 : vector<128x1xf32>
        %select_n3A_598 = arith.select %gt3A_597, %broadcast_in_dim3A_566, %select_n3A_585 : vector<128x1xi1>, vector<128x1xf32>
        %select_n3A_599 = arith.select %gt3A_596, %select_n3A_587, %select_n3A_598 : vector<128x1xi1>, vector<128x1xf32>
        %select_n3A_600 = arith.select %gt3A_596, %broadcast_in_dim3A_566, %select_n3A_587 : vector<128x1xi1>, vector<128x1xf32>
        %select_n3A_601 = arith.select %gt3A_595, %select_n3A_592, %select_n3A_600 : vector<128x1xi1>, vector<128x1xf32>
        %select_n3A_602 = arith.select %gt3A_596, %broadcast_in_dim3A_170, %select_n3A_589 : vector<128x1xi1>, vector<128x1xf32>
        %select_n3A_603 = arith.select %gt3A_595, %select_n3A_593, %select_n3A_602 : vector<128x1xi1>, vector<128x1xf32>
        %select_n3A_604 = arith.select %gt3A_596, %broadcast_in_dim3A_172, %select_n3A_591 : vector<128x1xi1>, vector<128x1xi32>
        %select_n3A_605 = arith.select %gt3A_595, %select_n3A_594, %select_n3A_604 : vector<128x1xi1>, vector<128x1xi32>
        %select_n3A_606 = arith.select %gt3A_595, %broadcast_in_dim3A_566, %select_n3A_592 : vector<128x1xi1>, vector<128x1xf32>
        %select_n3A_607 = arith.select %gt3A_595, %broadcast_in_dim3A_170, %select_n3A_593 : vector<128x1xi1>, vector<128x1xf32>
        %select_n3A_608 = arith.select %gt3A_595, %broadcast_in_dim3A_172, %select_n3A_594 : vector<128x1xi1>, vector<128x1xi32>
        scf.yield %select_n3A_606, %select_n3A_607, %select_n3A_608, %select_n3A_601, %select_n3A_603, %select_n3A_605, %select_n3A_599 : vector<128x1xf32>, vector<128x1xf32>, vector<128x1xi32>, vector<128x1xf32>, vector<128x1xf32>, vector<128x1xi32>, vector<128x1xf32>
      }
      %while3A_181 = arith.constant 1 : i32
      %while3A_182:7 = scf.for %while3A_246 = %while3A_178 to %while3A_174 step %while3A_181 iter_args(%while3A_247 = %while3A_180#0, %while3A_248 = %while3A_180#1, %while3A_249 = %while3A_180#2, %while3A_250 = %while3A_180#3, %while3A_251 = %while3A_180#4, %while3A_252 = %while3A_180#5, %while3A_253 = %while3A_180#6) -> (vector<128x1xf32>, vector<128x1xf32>, vector<128x1xi32>, vector<128x1xf32>, vector<128x1xf32>, vector<128x1xi32>, vector<128x1xf32>)  : i32 {
        %get3A_254 = arith.index_cast %while3A_246 : i32 to index
        %get3A_255 = arith.constant 0 : index
        %get3A_256 = vector.load %arg5[%get3A_254, %get3A_255] : memref<8x1024xf32, #tpu.memory_space<vmem>>, vector<1x1024xf32>
        %get3A_257 = arith.index_cast %while3A_246 : i32 to index
        %get3A_258 = arith.constant 0 : index
        %get3A_259 = vector.load %arg7[%get3A_257, %get3A_258] : memref<8x1024xi32, #tpu.memory_space<vmem>>, vector<1x1024xi32>
        %get3A_260 = arith.index_cast %while3A_246 : i32 to index
        %get3A_261 = arith.constant 0 : index
        %get3A_262 = vector.load %arg13[%get3A_260, %get3A_261] : memref<8x1024xf32, #tpu.memory_space<vmem>>, vector<1x1024xf32>
        %mul3A_263 = arith.constant 8192 : i32
        %mul3A_264 = vector.broadcast %mul3A_263 : i32 to vector<128x1xi32>
        %mul3A_265 = arith.muli %get3A_34, %mul3A_264 : vector<128x1xi32>
        %add3A_266 = vector.broadcast %mul3A_265 : vector<128x1xi32> to vector<128x1024xi32>
        %add3A_267 = vector.broadcast %get3A_259 : vector<1x1024xi32> to vector<128x1024xi32>
        %add3A_268 = arith.addi %add3A_266, %add3A_267 : vector<128x1024xi32>
        %bitcast_convert_type3A = tpu.bitcast %add3A_268 : vector<128x1024xi32> -> vector<128x1024xi32>
        %broadcast_in_dim3A_269 = arith.constant 0 : i32
        %broadcast_in_dim3A_270 = vector.broadcast %broadcast_in_dim3A_269 : i32 to vector<128x1024xi32>
        %add3A_271 = arith.constant 0 : i32
        %add3A_272 = vector.broadcast %add3A_271 : i32 to vector<128x1024xi32>
        %add3A_273 = arith.addi %broadcast_in_dim3A_270, %add3A_272 : vector<128x1024xi32>
        %add3A_274 = arith.constant 1234 : i32
        %add3A_275 = vector.broadcast %add3A_274 : i32 to vector<128x1024xi32>
        %add3A_276 = arith.addi %bitcast_convert_type3A, %add3A_275 : vector<128x1024xi32>
        %add3A_277 = arith.addi %add3A_273, %add3A_276 : vector<128x1024xi32>
        %shift_left3A = arith.constant 13 : i32
        %shift_left3A_278 = vector.broadcast %shift_left3A : i32 to vector<128x1024xi32>
        %shift_left3A_279 = arith.shli %add3A_276, %shift_left3A_278 : vector<128x1024xi32>
        %shift_right_logical3A = arith.constant 19 : i32
        %shift_right_logical3A_280 = vector.broadcast %shift_right_logical3A : i32 to vector<128x1024xi32>
        %shift_right_logical3A_281 = arith.shrui %add3A_276, %shift_right_logical3A_280 : vector<128x1024xi32>
        %or3A = arith.ori %shift_left3A_279, %shift_right_logical3A_281 : vector<128x1024xi32>
        %xor3A = arith.xori %or3A, %add3A_277 : vector<128x1024xi32>
        %add3A_282 = arith.addi %add3A_277, %xor3A : vector<128x1024xi32>
        %shift_left3A_283 = arith.constant 15 : i32
        %shift_left3A_284 = vector.broadcast %shift_left3A_283 : i32 to vector<128x1024xi32>
        %shift_left3A_285 = arith.shli %xor3A, %shift_left3A_284 : vector<128x1024xi32>
        %shift_right_logical3A_286 = arith.constant 17 : i32
        %shift_right_logical3A_287 = vector.broadcast %shift_right_logical3A_286 : i32 to vector<128x1024xi32>
        %shift_right_logical3A_288 = arith.shrui %xor3A, %shift_right_logical3A_287 : vector<128x1024xi32>
        %or3A_289 = arith.ori %shift_left3A_285, %shift_right_logical3A_288 : vector<128x1024xi32>
        %xor3A_290 = arith.xori %or3A_289, %add3A_282 : vector<128x1024xi32>
        %add3A_291 = arith.addi %add3A_282, %xor3A_290 : vector<128x1024xi32>
        %shift_left3A_292 = arith.constant 26 : i32
        %shift_left3A_293 = vector.broadcast %shift_left3A_292 : i32 to vector<128x1024xi32>
        %shift_left3A_294 = arith.shli %xor3A_290, %shift_left3A_293 : vector<128x1024xi32>
        %shift_right_logical3A_295 = arith.constant 6 : i32
        %shift_right_logical3A_296 = vector.broadcast %shift_right_logical3A_295 : i32 to vector<128x1024xi32>
        %shift_right_logical3A_297 = arith.shrui %xor3A_290, %shift_right_logical3A_296 : vector<128x1024xi32>
        %or3A_298 = arith.ori %shift_left3A_294, %shift_right_logical3A_297 : vector<128x1024xi32>
        %xor3A_299 = arith.xori %or3A_298, %add3A_291 : vector<128x1024xi32>
        %add3A_300 = arith.addi %add3A_291, %xor3A_299 : vector<128x1024xi32>
        %shift_left3A_301 = arith.constant 6 : i32
        %shift_left3A_302 = vector.broadcast %shift_left3A_301 : i32 to vector<128x1024xi32>
        %shift_left3A_303 = arith.shli %xor3A_299, %shift_left3A_302 : vector<128x1024xi32>
        %shift_right_logical3A_304 = arith.constant 26 : i32
        %shift_right_logical3A_305 = vector.broadcast %shift_right_logical3A_304 : i32 to vector<128x1024xi32>
        %shift_right_logical3A_306 = arith.shrui %xor3A_299, %shift_right_logical3A_305 : vector<128x1024xi32>
        %or3A_307 = arith.ori %shift_left3A_303, %shift_right_logical3A_306 : vector<128x1024xi32>
        %xor3A_308 = arith.xori %or3A_307, %add3A_300 : vector<128x1024xi32>
        %add3A_309 = arith.constant 1234 : i32
        %add3A_310 = vector.broadcast %add3A_309 : i32 to vector<128x1024xi32>
        %add3A_311 = arith.addi %add3A_300, %add3A_310 : vector<128x1024xi32>
        %add3A_312 = arith.constant 466689801 : i32
        %add3A_313 = vector.broadcast %add3A_312 : i32 to vector<128x1024xi32>
        %add3A_314 = arith.addi %xor3A_308, %add3A_313 : vector<128x1024xi32>
        %add3A_315 = arith.addi %add3A_311, %add3A_314 : vector<128x1024xi32>
        %shift_left3A_316 = arith.constant 17 : i32
        %shift_left3A_317 = vector.broadcast %shift_left3A_316 : i32 to vector<128x1024xi32>
        %shift_left3A_318 = arith.shli %add3A_314, %shift_left3A_317 : vector<128x1024xi32>
        %shift_right_logical3A_319 = arith.constant 15 : i32
        %shift_right_logical3A_320 = vector.broadcast %shift_right_logical3A_319 : i32 to vector<128x1024xi32>
        %shift_right_logical3A_321 = arith.shrui %add3A_314, %shift_right_logical3A_320 : vector<128x1024xi32>
        %or3A_322 = arith.ori %shift_left3A_318, %shift_right_logical3A_321 : vector<128x1024xi32>
        %xor3A_323 = arith.xori %or3A_322, %add3A_315 : vector<128x1024xi32>
        %add3A_324 = arith.addi %add3A_315, %xor3A_323 : vector<128x1024xi32>
        %shift_left3A_325 = arith.constant 29 : i32
        %shift_left3A_326 = vector.broadcast %shift_left3A_325 : i32 to vector<128x1024xi32>
        %shift_left3A_327 = arith.shli %xor3A_323, %shift_left3A_326 : vector<128x1024xi32>
        %shift_right_logical3A_328 = arith.constant 3 : i32
        %shift_right_logical3A_329 = vector.broadcast %shift_right_logical3A_328 : i32 to vector<128x1024xi32>
        %shift_right_logical3A_330 = arith.shrui %xor3A_323, %shift_right_logical3A_329 : vector<128x1024xi32>
        %or3A_331 = arith.ori %shift_left3A_327, %shift_right_logical3A_330 : vector<128x1024xi32>
        %xor3A_332 = arith.xori %or3A_331, %add3A_324 : vector<128x1024xi32>
        %add3A_333 = arith.addi %add3A_324, %xor3A_332 : vector<128x1024xi32>
        %shift_left3A_334 = arith.constant 16 : i32
        %shift_left3A_335 = vector.broadcast %shift_left3A_334 : i32 to vector<128x1024xi32>
        %shift_left3A_336 = arith.shli %xor3A_332, %shift_left3A_335 : vector<128x1024xi32>
        %shift_right_logical3A_337 = arith.constant 16 : i32
        %shift_right_logical3A_338 = vector.broadcast %shift_right_logical3A_337 : i32 to vector<128x1024xi32>
        %shift_right_logical3A_339 = arith.shrui %xor3A_332, %shift_right_logical3A_338 : vector<128x1024xi32>
        %or3A_340 = arith.ori %shift_left3A_336, %shift_right_logical3A_339 : vector<128x1024xi32>
        %xor3A_341 = arith.xori %or3A_340, %add3A_333 : vector<128x1024xi32>
        %add3A_342 = arith.addi %add3A_333, %xor3A_341 : vector<128x1024xi32>
        %shift_left3A_343 = arith.constant 24 : i32
        %shift_left3A_344 = vector.broadcast %shift_left3A_343 : i32 to vector<128x1024xi32>
        %shift_left3A_345 = arith.shli %xor3A_341, %shift_left3A_344 : vector<128x1024xi32>
        %shift_right_logical3A_346 = arith.constant 8 : i32
        %shift_right_logical3A_347 = vector.broadcast %shift_right_logical3A_346 : i32 to vector<128x1024xi32>
        %shift_right_logical3A_348 = arith.shrui %xor3A_341, %shift_right_logical3A_347 : vector<128x1024xi32>
        %or3A_349 = arith.ori %shift_left3A_345, %shift_right_logical3A_348 : vector<128x1024xi32>
        %xor3A_350 = arith.xori %or3A_349, %add3A_342 : vector<128x1024xi32>
        %add3A_351 = arith.constant 466689800 : i32
        %add3A_352 = vector.broadcast %add3A_351 : i32 to vector<128x1024xi32>
        %add3A_353 = arith.addi %add3A_342, %add3A_352 : vector<128x1024xi32>
        %add3A_354 = arith.constant 2 : i32
        %add3A_355 = vector.broadcast %add3A_354 : i32 to vector<128x1024xi32>
        %add3A_356 = arith.addi %xor3A_350, %add3A_355 : vector<128x1024xi32>
        %add3A_357 = arith.addi %add3A_353, %add3A_356 : vector<128x1024xi32>
        %shift_left3A_358 = arith.constant 13 : i32
        %shift_left3A_359 = vector.broadcast %shift_left3A_358 : i32 to vector<128x1024xi32>
        %shift_left3A_360 = arith.shli %add3A_356, %shift_left3A_359 : vector<128x1024xi32>
        %shift_right_logical3A_361 = arith.constant 19 : i32
        %shift_right_logical3A_362 = vector.broadcast %shift_right_logical3A_361 : i32 to vector<128x1024xi32>
        %shift_right_logical3A_363 = arith.shrui %add3A_356, %shift_right_logical3A_362 : vector<128x1024xi32>
        %or3A_364 = arith.ori %shift_left3A_360, %shift_right_logical3A_363 : vector<128x1024xi32>
        %xor3A_365 = arith.xori %or3A_364, %add3A_357 : vector<128x1024xi32>
        %add3A_366 = arith.addi %add3A_357, %xor3A_365 : vector<128x1024xi32>
        %shift_left3A_367 = arith.constant 15 : i32
        %shift_left3A_368 = vector.broadcast %shift_left3A_367 : i32 to vector<128x1024xi32>
        %shift_left3A_369 = arith.shli %xor3A_365, %shift_left3A_368 : vector<128x1024xi32>
        %shift_right_logical3A_370 = arith.constant 17 : i32
        %shift_right_logical3A_371 = vector.broadcast %shift_right_logical3A_370 : i32 to vector<128x1024xi32>
        %shift_right_logical3A_372 = arith.shrui %xor3A_365, %shift_right_logical3A_371 : vector<128x1024xi32>
        %or3A_373 = arith.ori %shift_left3A_369, %shift_right_logical3A_372 : vector<128x1024xi32>
        %xor3A_374 = arith.xori %or3A_373, %add3A_366 : vector<128x1024xi32>
        %add3A_375 = arith.addi %add3A_366, %xor3A_374 : vector<128x1024xi32>
        %shift_left3A_376 = arith.constant 26 : i32
        %shift_left3A_377 = vector.broadcast %shift_left3A_376 : i32 to vector<128x1024xi32>
        %shift_left3A_378 = arith.shli %xor3A_374, %shift_left3A_377 : vector<128x1024xi32>
        %shift_right_logical3A_379 = arith.constant 6 : i32
        %shift_right_logical3A_380 = vector.broadcast %shift_right_logical3A_379 : i32 to vector<128x1024xi32>
        %shift_right_logical3A_381 = arith.shrui %xor3A_374, %shift_right_logical3A_380 : vector<128x1024xi32>
        %or3A_382 = arith.ori %shift_left3A_378, %shift_right_logical3A_381 : vector<128x1024xi32>
        %xor3A_383 = arith.xori %or3A_382, %add3A_375 : vector<128x1024xi32>
        %add3A_384 = arith.addi %add3A_375, %xor3A_383 : vector<128x1024xi32>
        %shift_left3A_385 = arith.constant 6 : i32
        %shift_left3A_386 = vector.broadcast %shift_left3A_385 : i32 to vector<128x1024xi32>
        %shift_left3A_387 = arith.shli %xor3A_383, %shift_left3A_386 : vector<128x1024xi32>
        %shift_right_logical3A_388 = arith.constant 26 : i32
        %shift_right_logical3A_389 = vector.broadcast %shift_right_logical3A_388 : i32 to vector<128x1024xi32>
        %shift_right_logical3A_390 = arith.shrui %xor3A_383, %shift_right_logical3A_389 : vector<128x1024xi32>
        %or3A_391 = arith.ori %shift_left3A_387, %shift_right_logical3A_390 : vector<128x1024xi32>
        %xor3A_392 = arith.xori %or3A_391, %add3A_384 : vector<128x1024xi32>
        %add3A_393 = arith.constant 0 : i32
        %add3A_394 = vector.broadcast %add3A_393 : i32 to vector<128x1024xi32>
        %add3A_395 = arith.addi %add3A_384, %add3A_394 : vector<128x1024xi32>
        %add3A_396 = arith.constant 1237 : i32
        %add3A_397 = vector.broadcast %add3A_396 : i32 to vector<128x1024xi32>
        %add3A_398 = arith.addi %xor3A_392, %add3A_397 : vector<128x1024xi32>
        %add3A_399 = arith.addi %add3A_395, %add3A_398 : vector<128x1024xi32>
        %shift_left3A_400 = arith.constant 17 : i32
        %shift_left3A_401 = vector.broadcast %shift_left3A_400 : i32 to vector<128x1024xi32>
        %shift_left3A_402 = arith.shli %add3A_398, %shift_left3A_401 : vector<128x1024xi32>
        %shift_right_logical3A_403 = arith.constant 15 : i32
        %shift_right_logical3A_404 = vector.broadcast %shift_right_logical3A_403 : i32 to vector<128x1024xi32>
        %shift_right_logical3A_405 = arith.shrui %add3A_398, %shift_right_logical3A_404 : vector<128x1024xi32>
        %or3A_406 = arith.ori %shift_left3A_402, %shift_right_logical3A_405 : vector<128x1024xi32>
        %xor3A_407 = arith.xori %or3A_406, %add3A_399 : vector<128x1024xi32>
        %add3A_408 = arith.addi %add3A_399, %xor3A_407 : vector<128x1024xi32>
        %shift_left3A_409 = arith.constant 29 : i32
        %shift_left3A_410 = vector.broadcast %shift_left3A_409 : i32 to vector<128x1024xi32>
        %shift_left3A_411 = arith.shli %xor3A_407, %shift_left3A_410 : vector<128x1024xi32>
        %shift_right_logical3A_412 = arith.constant 3 : i32
        %shift_right_logical3A_413 = vector.broadcast %shift_right_logical3A_412 : i32 to vector<128x1024xi32>
        %shift_right_logical3A_414 = arith.shrui %xor3A_407, %shift_right_logical3A_413 : vector<128x1024xi32>
        %or3A_415 = arith.ori %shift_left3A_411, %shift_right_logical3A_414 : vector<128x1024xi32>
        %xor3A_416 = arith.xori %or3A_415, %add3A_408 : vector<128x1024xi32>
        %add3A_417 = arith.addi %add3A_408, %xor3A_416 : vector<128x1024xi32>
        %shift_left3A_418 = arith.constant 16 : i32
        %shift_left3A_419 = vector.broadcast %shift_left3A_418 : i32 to vector<128x1024xi32>
        %shift_left3A_420 = arith.shli %xor3A_416, %shift_left3A_419 : vector<128x1024xi32>
        %shift_right_logical3A_421 = arith.constant 16 : i32
        %shift_right_logical3A_422 = vector.broadcast %shift_right_logical3A_421 : i32 to vector<128x1024xi32>
        %shift_right_logical3A_423 = arith.shrui %xor3A_416, %shift_right_logical3A_422 : vector<128x1024xi32>
        %or3A_424 = arith.ori %shift_left3A_420, %shift_right_logical3A_423 : vector<128x1024xi32>
        %xor3A_425 = arith.xori %or3A_424, %add3A_417 : vector<128x1024xi32>
        %add3A_426 = arith.addi %add3A_417, %xor3A_425 : vector<128x1024xi32>
        %shift_left3A_427 = arith.constant 24 : i32
        %shift_left3A_428 = vector.broadcast %shift_left3A_427 : i32 to vector<128x1024xi32>
        %shift_left3A_429 = arith.shli %xor3A_425, %shift_left3A_428 : vector<128x1024xi32>
        %shift_right_logical3A_430 = arith.constant 8 : i32
        %shift_right_logical3A_431 = vector.broadcast %shift_right_logical3A_430 : i32 to vector<128x1024xi32>
        %shift_right_logical3A_432 = arith.shrui %xor3A_425, %shift_right_logical3A_431 : vector<128x1024xi32>
        %or3A_433 = arith.ori %shift_left3A_429, %shift_right_logical3A_432 : vector<128x1024xi32>
        %xor3A_434 = arith.xori %or3A_433, %add3A_426 : vector<128x1024xi32>
        %add3A_435 = arith.constant 1234 : i32
        %add3A_436 = vector.broadcast %add3A_435 : i32 to vector<128x1024xi32>
        %add3A_437 = arith.addi %add3A_426, %add3A_436 : vector<128x1024xi32>
        %add3A_438 = arith.constant 466689804 : i32
        %add3A_439 = vector.broadcast %add3A_438 : i32 to vector<128x1024xi32>
        %add3A_440 = arith.addi %xor3A_434, %add3A_439 : vector<128x1024xi32>
        %add3A_441 = arith.addi %add3A_437, %add3A_440 : vector<128x1024xi32>
        %shift_left3A_442 = arith.constant 13 : i32
        %shift_left3A_443 = vector.broadcast %shift_left3A_442 : i32 to vector<128x1024xi32>
        %shift_left3A_444 = arith.shli %add3A_440, %shift_left3A_443 : vector<128x1024xi32>
        %shift_right_logical3A_445 = arith.constant 19 : i32
        %shift_right_logical3A_446 = vector.broadcast %shift_right_logical3A_445 : i32 to vector<128x1024xi32>
        %shift_right_logical3A_447 = arith.shrui %add3A_440, %shift_right_logical3A_446 : vector<128x1024xi32>
        %or3A_448 = arith.ori %shift_left3A_444, %shift_right_logical3A_447 : vector<128x1024xi32>
        %xor3A_449 = arith.xori %or3A_448, %add3A_441 : vector<128x1024xi32>
        %add3A_450 = arith.addi %add3A_441, %xor3A_449 : vector<128x1024xi32>
        %shift_left3A_451 = arith.constant 15 : i32
        %shift_left3A_452 = vector.broadcast %shift_left3A_451 : i32 to vector<128x1024xi32>
        %shift_left3A_453 = arith.shli %xor3A_449, %shift_left3A_452 : vector<128x1024xi32>
        %shift_right_logical3A_454 = arith.constant 17 : i32
        %shift_right_logical3A_455 = vector.broadcast %shift_right_logical3A_454 : i32 to vector<128x1024xi32>
        %shift_right_logical3A_456 = arith.shrui %xor3A_449, %shift_right_logical3A_455 : vector<128x1024xi32>
        %or3A_457 = arith.ori %shift_left3A_453, %shift_right_logical3A_456 : vector<128x1024xi32>
        %xor3A_458 = arith.xori %or3A_457, %add3A_450 : vector<128x1024xi32>
        %add3A_459 = arith.addi %add3A_450, %xor3A_458 : vector<128x1024xi32>
        %shift_left3A_460 = arith.constant 26 : i32
        %shift_left3A_461 = vector.broadcast %shift_left3A_460 : i32 to vector<128x1024xi32>
        %shift_left3A_462 = arith.shli %xor3A_458, %shift_left3A_461 : vector<128x1024xi32>
        %shift_right_logical3A_463 = arith.constant 6 : i32
        %shift_right_logical3A_464 = vector.broadcast %shift_right_logical3A_463 : i32 to vector<128x1024xi32>
        %shift_right_logical3A_465 = arith.shrui %xor3A_458, %shift_right_logical3A_464 : vector<128x1024xi32>
        %or3A_466 = arith.ori %shift_left3A_462, %shift_right_logical3A_465 : vector<128x1024xi32>
        %xor3A_467 = arith.xori %or3A_466, %add3A_459 : vector<128x1024xi32>
        %add3A_468 = arith.addi %add3A_459, %xor3A_467 : vector<128x1024xi32>
        %shift_left3A_469 = arith.constant 6 : i32
        %shift_left3A_470 = vector.broadcast %shift_left3A_469 : i32 to vector<128x1024xi32>
        %shift_left3A_471 = arith.shli %xor3A_467, %shift_left3A_470 : vector<128x1024xi32>
        %shift_right_logical3A_472 = arith.constant 26 : i32
        %shift_right_logical3A_473 = vector.broadcast %shift_right_logical3A_472 : i32 to vector<128x1024xi32>
        %shift_right_logical3A_474 = arith.shrui %xor3A_467, %shift_right_logical3A_473 : vector<128x1024xi32>
        %or3A_475 = arith.ori %shift_left3A_471, %shift_right_logical3A_474 : vector<128x1024xi32>
        %xor3A_476 = arith.xori %or3A_475, %add3A_468 : vector<128x1024xi32>
        %add3A_477 = arith.constant 466689800 : i32
        %add3A_478 = vector.broadcast %add3A_477 : i32 to vector<128x1024xi32>
        %add3A_479 = arith.addi %add3A_468, %add3A_478 : vector<128x1024xi32>
        %add3A_480 = arith.constant 5 : i32
        %add3A_481 = vector.broadcast %add3A_480 : i32 to vector<128x1024xi32>
        %add3A_482 = arith.addi %xor3A_476, %add3A_481 : vector<128x1024xi32>
        %xor3A_483 = arith.xori %add3A_479, %add3A_482 : vector<128x1024xi32>
        %shift_right_logical3A_484 = arith.constant 9 : i32
        %shift_right_logical3A_485 = vector.broadcast %shift_right_logical3A_484 : i32 to vector<128x1024xi32>
        %shift_right_logical3A_486 = arith.shrui %xor3A_483, %shift_right_logical3A_485 : vector<128x1024xi32>
        %or3A_487 = arith.constant 1065353216 : i32
        %or3A_488 = vector.broadcast %or3A_487 : i32 to vector<128x1024xi32>
        %or3A_489 = arith.ori %shift_right_logical3A_486, %or3A_488 : vector<128x1024xi32>
        %bitcast_convert_type3A_490 = tpu.bitcast %or3A_489 : vector<128x1024xi32> -> vector<128x1024xf32>
        %sub3A_491 = arith.constant 1.000000e+00 : f32
        %sub3A_492 = vector.broadcast %sub3A_491 : f32 to vector<128x1024xf32>
        %sub3A_493 = arith.subf %bitcast_convert_type3A_490, %sub3A_492 : vector<128x1024xf32>
        %sub3A_494 = vector.broadcast %get3A_256 : vector<1x1024xf32> to vector<128x1024xf32>
        %sub3A_495 = vector.broadcast %get3A_31 : vector<128x1xf32> to vector<128x1024xf32>
        %sub3A_496 = arith.subf %sub3A_494, %sub3A_495 : vector<128x1024xf32>
        %gt3A_497 = arith.constant 0.000000e+00 : f32
        %gt3A_498 = vector.broadcast %gt3A_497 : f32 to vector<128x1024xf32>
        %gt3A_499 = arith.cmpf ogt, %sub3A_496, %gt3A_498 : vector<128x1024xf32>
        %gt3A_500 = arith.constant 0.000000e+00 : f32
        %gt3A_501 = vector.broadcast %gt3A_500 : f32 to vector<128x1xf32>
        %gt3A_502 = arith.cmpf ogt, %get3A_11, %gt3A_501 : vector<128x1xf32>
        %and3A = vector.broadcast %gt3A_502 : vector<128x1xi1> to vector<128x1024xi1>
        %and3A_503 = arith.andi %gt3A_499, %and3A : vector<128x1024xi1>
        %add3A_504 = arith.constant 1.000000e+00 : f32
        %add3A_505 = vector.broadcast %add3A_504 : f32 to vector<128x1024xf32>
        %add3A_506 = arith.addf %add3A_505, %sub3A_493 : vector<128x1024xf32>
        %jit3A_507 = arith.constant 0.000000e+00 : f32
        %broadcast_in_dim3A_508 = vector.broadcast %jit3A_507 : f32 to vector<128x1024xf32>
        %select_n3A_509 = arith.select %and3A_503, %add3A_506, %broadcast_in_dim3A_508 : vector<128x1024xi1>, vector<128x1024xf32>
        %mul3A_510 = arith.constant 1024 : i32
        %mul3A_511 = arith.muli %while3A_246, %mul3A_510 : i32
        %reduce_max3A_512 = arith.constant dense<0xFF800000> : vector<128xf32>
        %reduce_max3A_513 = vector.multi_reduction <maximumf>, %select_n3A_509, %reduce_max3A_512 [1] : vector<128x1024xf32> to vector<128xf32>
        %broadcast_in_dim3A_514 = vector.shape_cast %reduce_max3A_513 : vector<128xf32> to vector<128x1xf32>
        %eq3A_515 = vector.broadcast %broadcast_in_dim3A_514 : vector<128x1xf32> to vector<128x1024xf32>
        %eq3A_516 = arith.cmpf oeq, %select_n3A_509, %eq3A_515 : vector<128x1024xf32>
        %jit3A_517 = arith.constant 1024 : i32
        %broadcast_in_dim3A_518 = vector.broadcast %jit3A_517 : i32 to vector<128x1024xi32>
        %select_n3A_519 = arith.select %eq3A_516, %iota3A, %broadcast_in_dim3A_518 : vector<128x1024xi1>, vector<128x1024xi32>
        %reduce_min3A_520 = arith.constant dense<2147483647> : vector<128xi32>
        %reduce_min3A_521 = vector.multi_reduction <minsi>, %select_n3A_519, %reduce_min3A_520 [1] : vector<128x1024xi32> to vector<128xi32>
        %broadcast_in_dim3A_522 = vector.shape_cast %reduce_min3A_521 : vector<128xi32> to vector<128x1xi32>
        %eq3A_523 = vector.broadcast %broadcast_in_dim3A_522 : vector<128x1xi32> to vector<128x1024xi32>
        %eq3A_524 = arith.cmpi eq, %iota3A, %eq3A_523 : vector<128x1024xi32>
        %jit3A_525 = arith.constant 0.000000e+00 : f32
        %broadcast_in_dim3A_526 = vector.shape_cast %get3A_262 : vector<1x1024xf32> to vector<1x1024xf32>
        %broadcast_in_dim3A_527 = vector.broadcast %broadcast_in_dim3A_526 : vector<1x1024xf32> to vector<128x1024xf32>
        %broadcast_in_dim3A_528 = vector.broadcast %jit3A_525 : f32 to vector<128x1024xf32>
        %select_n3A_529 = arith.select %eq3A_524, %broadcast_in_dim3A_527, %broadcast_in_dim3A_528 : vector<128x1024xi1>, vector<128x1024xf32>
        %reduce_sum3A_530 = arith.constant dense<0.000000e+00> : vector<128xf32>
        %reduce_sum3A_531 = vector.multi_reduction <add>, %select_n3A_529, %reduce_sum3A_530 [1] : vector<128x1024xf32> to vector<128xf32>
        %broadcast_in_dim3A_532 = vector.shape_cast %reduce_sum3A_531 : vector<128xf32> to vector<128x1xf32>
        %add3A_533 = vector.broadcast %mul3A_511 : i32 to vector<128x1xi32>
        %add3A_534 = arith.addi %broadcast_in_dim3A_522, %add3A_533 : vector<128x1xi32>
        %jit3A_535 = arith.constant -1.000000e+00 : f32
        %broadcast_in_dim3A_536 = vector.broadcast %jit3A_535 : f32 to vector<128x1024xf32>
        %select_n3A_537 = arith.select %eq3A_524, %broadcast_in_dim3A_536, %select_n3A_509 : vector<128x1024xi1>, vector<128x1024xf32>
        %reduce_max3A_538 = arith.constant dense<0xFF800000> : vector<128xf32>
        %reduce_max3A_539 = vector.multi_reduction <maximumf>, %select_n3A_537, %reduce_max3A_538 [1] : vector<128x1024xf32> to vector<128xf32>
        %broadcast_in_dim3A_540 = vector.shape_cast %reduce_max3A_539 : vector<128xf32> to vector<128x1xf32>
        %eq3A_541 = vector.broadcast %broadcast_in_dim3A_540 : vector<128x1xf32> to vector<128x1024xf32>
        %eq3A_542 = arith.cmpf oeq, %select_n3A_537, %eq3A_541 : vector<128x1024xf32>
        %jit3A_543 = arith.constant 1024 : i32
        %broadcast_in_dim3A_544 = vector.broadcast %jit3A_543 : i32 to vector<128x1024xi32>
        %select_n3A_545 = arith.select %eq3A_542, %iota3A, %broadcast_in_dim3A_544 : vector<128x1024xi1>, vector<128x1024xi32>
        %reduce_min3A_546 = arith.constant dense<2147483647> : vector<128xi32>
        %reduce_min3A_547 = vector.multi_reduction <minsi>, %select_n3A_545, %reduce_min3A_546 [1] : vector<128x1024xi32> to vector<128xi32>
        %broadcast_in_dim3A_548 = vector.shape_cast %reduce_min3A_547 : vector<128xi32> to vector<128x1xi32>
        %eq3A_549 = vector.broadcast %broadcast_in_dim3A_548 : vector<128x1xi32> to vector<128x1024xi32>
        %eq3A_550 = arith.cmpi eq, %iota3A, %eq3A_549 : vector<128x1024xi32>
        %jit3A_551 = arith.constant 0.000000e+00 : f32
        %broadcast_in_dim3A_552 = vector.shape_cast %get3A_262 : vector<1x1024xf32> to vector<1x1024xf32>
        %broadcast_in_dim3A_553 = vector.broadcast %broadcast_in_dim3A_552 : vector<1x1024xf32> to vector<128x1024xf32>
        %broadcast_in_dim3A_554 = vector.broadcast %jit3A_551 : f32 to vector<128x1024xf32>
        %select_n3A_555 = arith.select %eq3A_550, %broadcast_in_dim3A_553, %broadcast_in_dim3A_554 : vector<128x1024xi1>, vector<128x1024xf32>
        %reduce_sum3A_556 = arith.constant dense<0.000000e+00> : vector<128xf32>
        %reduce_sum3A_557 = vector.multi_reduction <add>, %select_n3A_555, %reduce_sum3A_556 [1] : vector<128x1024xf32> to vector<128xf32>
        %broadcast_in_dim3A_558 = vector.shape_cast %reduce_sum3A_557 : vector<128xf32> to vector<128x1xf32>
        %add3A_559 = vector.broadcast %mul3A_511 : i32 to vector<128x1xi32>
        %add3A_560 = arith.addi %broadcast_in_dim3A_548, %add3A_559 : vector<128x1xi32>
        %jit3A_561 = arith.constant -1.000000e+00 : f32
        %broadcast_in_dim3A_562 = vector.broadcast %jit3A_561 : f32 to vector<128x1024xf32>
        %select_n3A_563 = arith.select %eq3A_550, %broadcast_in_dim3A_562, %select_n3A_537 : vector<128x1024xi1>, vector<128x1024xf32>
        %reduce_max3A_564 = arith.constant dense<0xFF800000> : vector<128xf32>
        %reduce_max3A_565 = vector.multi_reduction <maximumf>, %select_n3A_563, %reduce_max3A_564 [1] : vector<128x1024xf32> to vector<128xf32>
        %broadcast_in_dim3A_566 = vector.shape_cast %reduce_max3A_565 : vector<128xf32> to vector<128x1xf32>
        %gt3A_567 = arith.cmpf ogt, %broadcast_in_dim3A_514, %while3A_247 : vector<128x1xf32>
        %gt3A_568 = arith.cmpf ogt, %broadcast_in_dim3A_514, %while3A_250 : vector<128x1xf32>
        %gt3A_569 = arith.cmpf ogt, %broadcast_in_dim3A_514, %while3A_253 : vector<128x1xf32>
        %select_n3A_570 = arith.select %gt3A_569, %broadcast_in_dim3A_514, %while3A_253 : vector<128x1xi1>, vector<128x1xf32>
        %select_n3A_571 = arith.select %gt3A_568, %while3A_250, %select_n3A_570 : vector<128x1xi1>, vector<128x1xf32>
        %select_n3A_572 = arith.select %gt3A_568, %broadcast_in_dim3A_514, %while3A_250 : vector<128x1xi1>, vector<128x1xf32>
        %select_n3A_573 = arith.select %gt3A_567, %while3A_247, %select_n3A_572 : vector<128x1xi1>, vector<128x1xf32>
        %select_n3A_574 = arith.select %gt3A_568, %broadcast_in_dim3A_532, %while3A_251 : vector<128x1xi1>, vector<128x1xf32>
        %select_n3A_575 = arith.select %gt3A_567, %while3A_248, %select_n3A_574 : vector<128x1xi1>, vector<128x1xf32>
        %select_n3A_576 = arith.select %gt3A_568, %add3A_534, %while3A_252 : vector<128x1xi1>, vector<128x1xi32>
        %select_n3A_577 = arith.select %gt3A_567, %while3A_249, %select_n3A_576 : vector<128x1xi1>, vector<128x1xi32>
        %select_n3A_578 = arith.select %gt3A_567, %broadcast_in_dim3A_514, %while3A_247 : vector<128x1xi1>, vector<128x1xf32>
        %select_n3A_579 = arith.select %gt3A_567, %broadcast_in_dim3A_532, %while3A_248 : vector<128x1xi1>, vector<128x1xf32>
        %select_n3A_580 = arith.select %gt3A_567, %add3A_534, %while3A_249 : vector<128x1xi1>, vector<128x1xi32>
        %gt3A_581 = arith.cmpf ogt, %broadcast_in_dim3A_540, %select_n3A_578 : vector<128x1xf32>
        %gt3A_582 = arith.cmpf ogt, %broadcast_in_dim3A_540, %select_n3A_573 : vector<128x1xf32>
        %gt3A_583 = arith.cmpf ogt, %broadcast_in_dim3A_540, %select_n3A_571 : vector<128x1xf32>
        %select_n3A_584 = arith.select %gt3A_583, %broadcast_in_dim3A_540, %select_n3A_571 : vector<128x1xi1>, vector<128x1xf32>
        %select_n3A_585 = arith.select %gt3A_582, %select_n3A_573, %select_n3A_584 : vector<128x1xi1>, vector<128x1xf32>
        %select_n3A_586 = arith.select %gt3A_582, %broadcast_in_dim3A_540, %select_n3A_573 : vector<128x1xi1>, vector<128x1xf32>
        %select_n3A_587 = arith.select %gt3A_581, %select_n3A_578, %select_n3A_586 : vector<128x1xi1>, vector<128x1xf32>
        %select_n3A_588 = arith.select %gt3A_582, %broadcast_in_dim3A_558, %select_n3A_575 : vector<128x1xi1>, vector<128x1xf32>
        %select_n3A_589 = arith.select %gt3A_581, %select_n3A_579, %select_n3A_588 : vector<128x1xi1>, vector<128x1xf32>
        %select_n3A_590 = arith.select %gt3A_582, %add3A_560, %select_n3A_577 : vector<128x1xi1>, vector<128x1xi32>
        %select_n3A_591 = arith.select %gt3A_581, %select_n3A_580, %select_n3A_590 : vector<128x1xi1>, vector<128x1xi32>
        %select_n3A_592 = arith.select %gt3A_581, %broadcast_in_dim3A_540, %select_n3A_578 : vector<128x1xi1>, vector<128x1xf32>
        %select_n3A_593 = arith.select %gt3A_581, %broadcast_in_dim3A_558, %select_n3A_579 : vector<128x1xi1>, vector<128x1xf32>
        %select_n3A_594 = arith.select %gt3A_581, %add3A_560, %select_n3A_580 : vector<128x1xi1>, vector<128x1xi32>
        %gt3A_595 = arith.cmpf ogt, %broadcast_in_dim3A_566, %select_n3A_592 : vector<128x1xf32>
        %gt3A_596 = arith.cmpf ogt, %broadcast_in_dim3A_566, %select_n3A_587 : vector<128x1xf32>
        %gt3A_597 = arith.cmpf ogt, %broadcast_in_dim3A_566, %select_n3A_585 : vector<128x1xf32>
        %select_n3A_598 = arith.select %gt3A_597, %broadcast_in_dim3A_566, %select_n3A_585 : vector<128x1xi1>, vector<128x1xf32>
        %select_n3A_599 = arith.select %gt3A_596, %select_n3A_587, %select_n3A_598 : vector<128x1xi1>, vector<128x1xf32>
        %select_n3A_600 = arith.select %gt3A_596, %broadcast_in_dim3A_566, %select_n3A_587 : vector<128x1xi1>, vector<128x1xf32>
        %select_n3A_601 = arith.select %gt3A_595, %select_n3A_592, %select_n3A_600 : vector<128x1xi1>, vector<128x1xf32>
        %select_n3A_602 = arith.select %gt3A_596, %broadcast_in_dim3A_170, %select_n3A_589 : vector<128x1xi1>, vector<128x1xf32>
        %select_n3A_603 = arith.select %gt3A_595, %select_n3A_593, %select_n3A_602 : vector<128x1xi1>, vector<128x1xf32>
        %select_n3A_604 = arith.select %gt3A_596, %broadcast_in_dim3A_172, %select_n3A_591 : vector<128x1xi1>, vector<128x1xi32>
        %select_n3A_605 = arith.select %gt3A_595, %select_n3A_594, %select_n3A_604 : vector<128x1xi1>, vector<128x1xi32>
        %select_n3A_606 = arith.select %gt3A_595, %broadcast_in_dim3A_566, %select_n3A_592 : vector<128x1xi1>, vector<128x1xf32>
        %select_n3A_607 = arith.select %gt3A_595, %broadcast_in_dim3A_170, %select_n3A_593 : vector<128x1xi1>, vector<128x1xf32>
        %select_n3A_608 = arith.select %gt3A_595, %broadcast_in_dim3A_172, %select_n3A_594 : vector<128x1xi1>, vector<128x1xi32>
        scf.yield %select_n3A_606, %select_n3A_607, %select_n3A_608, %select_n3A_601, %select_n3A_603, %select_n3A_605, %select_n3A_599 : vector<128x1xf32>, vector<128x1xf32>, vector<128x1xi32>, vector<128x1xf32>, vector<128x1xf32>, vector<128x1xi32>, vector<128x1xf32>
      }
      %gt3A_183 = arith.cmpf ogt, %while3A_182#0, %while3A_182#6 : vector<128x1xf32>
      %convert_element_type3A_184 = arith.extui %gt3A_183 : vector<128x1xi1> to vector<128x1xi32>
      %convert_element_type3A_185 = arith.sitofp %convert_element_type3A_184 : vector<128x1xi32> to vector<128x1xf32>
      %gt3A_186 = arith.cmpf ogt, %while3A_182#3, %while3A_182#6 : vector<128x1xf32>
      %convert_element_type3A_187 = arith.extui %gt3A_186 : vector<128x1xi1> to vector<128x1xi32>
      %convert_element_type3A_188 = arith.sitofp %convert_element_type3A_187 : vector<128x1xi32> to vector<128x1xf32>
      %mul3A_189 = arith.mulf %convert_element_type3A_185, %while3A_182#1 : vector<128x1xf32>
      %mul3A_190 = arith.mulf %convert_element_type3A_188, %while3A_182#4 : vector<128x1xf32>
      %add3A_191 = arith.addf %mul3A_189, %mul3A_190 : vector<128x1xf32>
      %sub3A_192 = vector.broadcast %reduce_max3A_6 : f32 to vector<128x1xf32>
      %sub3A_193 = arith.subf %get3A_28, %sub3A_192 : vector<128x1xf32>
      %exp3A = math.exp %sub3A_193 : vector<128x1xf32>
      %mul3A_194 = arith.mulf %convert_element_type3A_185, %exp3A : vector<128x1xf32>
      %add3A_195 = arith.addf %add3A_191, %mul3A_194 : vector<128x1xf32>
      %gt3A_196 = arith.constant 0.000000e+00 : f32
      %gt3A_197 = vector.broadcast %gt3A_196 : f32 to vector<128x1xf32>
      %gt3A_198 = arith.cmpf ogt, %convert_element_type3A_185, %gt3A_197 : vector<128x1xf32>
      %jit3A_199 = arith.constant 1.000000e+00 : f32
      %broadcast_in_dim3A_200 = vector.broadcast %jit3A_199 : f32 to vector<128x1xf32>
      %select_n3A_201 = arith.select %gt3A_198, %add3A_195, %broadcast_in_dim3A_200 : vector<128x1xi1>, vector<128x1xf32>
      %sub3A_202 = vector.broadcast %reduce_max3A_6 : f32 to vector<128x1xf32>
      %sub3A_203 = arith.subf %sub3A_202, %get3A_28 : vector<128x1xf32>
      %log3A = math.log %select_n3A_201 : vector<128x1xf32>
      %add3A_204 = arith.addf %sub3A_203, %log3A : vector<128x1xf32>
      %mul3A_205 = arith.mulf %convert_element_type3A_185, %add3A_204 : vector<128x1xf32>
      %get3A_206 = arith.constant 0 : index
      %get3A_207 = arith.constant 0 : index
      %get3A_208 = vector.load %arg12[%get3A_206, %get3A_207] : memref<1x1xf32, #tpu.memory_space<vmem>>, vector<1x1xf32>
      %reduce_sum3A = vector.shape_cast %mul3A_205 : vector<128x1xf32> to vector<1x128x1xf32>
      %reduce_sum3A_209 = arith.constant dense<0.000000e+00> : vector<1xf32>
      %reduce_sum3A_210 = vector.multi_reduction <add>, %reduce_sum3A, %reduce_sum3A_209 [1, 2] : vector<1x128x1xf32> to vector<1xf32>
      %reduce_sum3A_211 = vector.shape_cast %reduce_sum3A_210 : vector<1xf32> to vector<1x1x1xf32>
      %reduce_sum3A_212 = vector.extract %reduce_sum3A_211[0, 0, 0] : f32 from vector<1x1x1xf32>
      %broadcast_in_dim3A_213 = vector.broadcast %reduce_sum3A_212 : f32 to vector<1x1xf32>
      %add3A_214 = arith.addf %get3A_208, %broadcast_in_dim3A_213 : vector<1x1xf32>
      %swap3A = arith.constant 0 : index
      %swap3A_215 = arith.constant 0 : index
      %swap3A_216 = vector.load %arg12[%swap3A, %swap3A_215] : memref<1x1xf32, #tpu.memory_space<vmem>>, vector<1x1xf32>
      tpu.vector_store %arg12[%swap3A, %swap3A_215], %add3A_214 {strides = array<i32>} : memref<1x1xf32, #tpu.memory_space<vmem>>, vector<1x1xf32>,
      %iota3A_217 = tpu.iota {dimensions = array<i32: 1>} : vector<128x8192xi32>
      %eq3A_218 = vector.broadcast %while3A_182#2 : vector<128x1xi32> to vector<128x8192xi32>
      %eq3A_219 = arith.cmpi eq, %iota3A_217, %eq3A_218 : vector<128x8192xi32>
      %jit3A_220 = arith.constant 0.000000e+00 : f32
      %broadcast_in_dim3A_221 = vector.shape_cast %convert_element_type3A_185 : vector<128x1xf32> to vector<128x1xf32>
      %broadcast_in_dim3A_222 = vector.broadcast %broadcast_in_dim3A_221 : vector<128x1xf32> to vector<128x8192xf32>
      %broadcast_in_dim3A_223 = vector.broadcast %jit3A_220 : f32 to vector<128x8192xf32>
      %select_n3A_224 = arith.select %eq3A_219, %broadcast_in_dim3A_222, %broadcast_in_dim3A_223 : vector<128x8192xi1>, vector<128x8192xf32>
      %eq3A_225 = vector.broadcast %while3A_182#5 : vector<128x1xi32> to vector<128x8192xi32>
      %eq3A_226 = arith.cmpi eq, %iota3A_217, %eq3A_225 : vector<128x8192xi32>
      %jit3A_227 = arith.constant 0.000000e+00 : f32
      %broadcast_in_dim3A_228 = vector.shape_cast %convert_element_type3A_188 : vector<128x1xf32> to vector<128x1xf32>
      %broadcast_in_dim3A_229 = vector.broadcast %broadcast_in_dim3A_228 : vector<128x1xf32> to vector<128x8192xf32>
      %broadcast_in_dim3A_230 = vector.broadcast %jit3A_227 : f32 to vector<128x8192xf32>
      %select_n3A_231 = arith.select %eq3A_226, %broadcast_in_dim3A_229, %broadcast_in_dim3A_230 : vector<128x8192xi1>, vector<128x8192xf32>
      %add3A_232 = arith.addf %select_n3A_224, %select_n3A_231 : vector<128x8192xf32>
      %get3A_233 = arith.constant 0 : index
      %get3A_234 = arith.constant 0 : index
      %get3A_235 = vector.load %arg10[%get3A_233, %get3A_234] : memref<1x8192xf32, #tpu.memory_space<vmem>>, vector<1x8192xf32>
      %reduce_sum3A_236 = arith.constant dense<0.000000e+00> : vector<8192xf32>
      %reduce_sum3A_237 = vector.multi_reduction <add>, %add3A_232, %reduce_sum3A_236 [0] : vector<128x8192xf32> to vector<8192xf32>
      %broadcast_in_dim3A_238 = vector.shape_cast %reduce_sum3A_237 : vector<8192xf32> to vector<1x8192xf32>
      %add3A_239 = arith.addf %get3A_235, %broadcast_in_dim3A_238 : vector<1x8192xf32>
      %swap3A_240 = arith.constant 0 : index
      %swap3A_241 = arith.constant 0 : index
      %swap3A_242 = vector.load %arg10[%swap3A_240, %swap3A_241] : memref<1x8192xf32, #tpu.memory_space<vmem>>, vector<1x8192xf32>
      tpu.vector_store %arg10[%swap3A_240, %swap3A_241], %add3A_239 {strides = array<i32>} : memref<1x8192xf32, #tpu.memory_space<vmem>>, vector<1x8192xf32>,
      %swap3A_243 = arith.index_cast %mul3A_0 : i32 to index
      %swap3A_244 = arith.constant 0 : index
      %swap3A_245 = vector.load %arg11[%swap3A_243, %swap3A_244] : memref<8192x1xf32, #tpu.memory_space<vmem>>, vector<128x1xf32>
      tpu.vector_store %arg11[%swap3A_243, %swap3A_244], %convert_element_type3A_185 {strides = array<i32>} : memref<8192x1xf32, #tpu.memory_space<vmem>>, vector<128x1xf32>,
    } else {
    }
    %eq3A_21 = arith.constant 63 : i32
    %eq3A_22 = arith.cmpi eq, %arg0, %eq3A_21 : i32
    %convert_element_type3A_23 = arith.extui %eq3A_22 : i1 to i32
    %cond3A_24 = arith.constant 0 : i32
    %cond3A_25 = arith.cmpi ne, %convert_element_type3A_23, %cond3A_24 : i32
    scf.if %cond3A_25 {
      %get3A_26 = arith.constant 0 : index
      %get3A_27 = arith.constant 0 : index
      %get3A_28 = vector.load %arg10[%get3A_26, %get3A_27] : memref<1x8192xf32, #tpu.memory_space<vmem>>, vector<1x8192xf32>
      %abs3A = math.absf %get3A_2 : vector<1x8192xf32>
      %mul3A_29 = arith.mulf %get3A_28, %abs3A : vector<1x8192xf32>
      %reduce_sum3A = vector.shape_cast %mul3A_29 : vector<1x8192xf32> to vector<1x1x8192xf32>
      %reduce_sum3A_30 = arith.constant dense<0.000000e+00> : vector<1xf32>
      %reduce_sum3A_31 = vector.multi_reduction <add>, %reduce_sum3A, %reduce_sum3A_30 [1, 2] : vector<1x1x8192xf32> to vector<1xf32>
      %reduce_sum3A_32 = vector.shape_cast %reduce_sum3A_31 : vector<1xf32> to vector<1x1x1xf32>
      %reduce_sum3A_33 = vector.extract %reduce_sum3A_32[0, 0, 0] : f32 from vector<1x1x1xf32>
      %broadcast_in_dim3A = vector.broadcast %reduce_sum3A_33 : f32 to vector<1x1xf32>
      %get3A_34 = arith.constant 0 : index
      %get3A_35 = arith.constant 0 : index
      %get3A_36 = vector.load %arg11[%get3A_34, %get3A_35] : memref<8192x1xf32, #tpu.memory_space<vmem>>, vector<8192x1xf32>
      %get3A_37 = arith.constant 0 : index
      %get3A_38 = arith.constant 0 : index
      %get3A_39 = vector.load %arg1[%get3A_37, %get3A_38] : memref<8192x1xf32, #tpu.memory_space<vmem>>, vector<8192x1xf32>
      %abs3A_40 = math.absf %get3A_39 : vector<8192x1xf32>
      %mul3A_41 = arith.mulf %get3A_36, %abs3A_40 : vector<8192x1xf32>
      %reduce_sum3A_42 = vector.shape_cast %mul3A_41 : vector<8192x1xf32> to vector<1x8192x1xf32>
      %reduce_sum3A_43 = arith.constant dense<0.000000e+00> : vector<1xf32>
      %reduce_sum3A_44 = vector.multi_reduction <add>, %reduce_sum3A_42, %reduce_sum3A_43 [1, 2] : vector<1x8192x1xf32> to vector<1xf32>
      %reduce_sum3A_45 = vector.shape_cast %reduce_sum3A_44 : vector<1xf32> to vector<1x1x1xf32>
      %reduce_sum3A_46 = vector.extract %reduce_sum3A_45[0, 0, 0] : f32 from vector<1x1x1xf32>
      %broadcast_in_dim3A_47 = vector.broadcast %reduce_sum3A_46 : f32 to vector<1x1xf32>
      %add3A = arith.addf %broadcast_in_dim3A, %broadcast_in_dim3A_47 : vector<1x1xf32>
      %get3A_48 = arith.constant 0 : index
      %get3A_49 = arith.constant 0 : index
      %get3A_50 = vector.load %arg12[%get3A_48, %get3A_49] : memref<1x1xf32, #tpu.memory_space<vmem>>, vector<1x1xf32>
      %mul3A_51 = arith.constant 5.000000e-02 : f32
      %mul3A_52 = vector.broadcast %mul3A_51 : f32 to vector<1x1xf32>
      %mul3A_53 = arith.mulf %mul3A_52, %add3A : vector<1x1xf32>
      %add3A_54 = arith.addf %get3A_50, %mul3A_53 : vector<1x1xf32>
      %swap3A = arith.constant 0 : index
      %swap3A_55 = arith.constant 0 : index
      %swap3A_56 = vector.load %arg9[%swap3A, %swap3A_55] : memref<1x1xf32, #tpu.memory_space<vmem>>, vector<1x1xf32>
      tpu.vector_store %arg9[%swap3A, %swap3A_55], %add3A_54 {strides = array<i32>} : memref<1x1xf32, #tpu.memory_space<vmem>>, vector<1x1xf32>,
    } else {
    }
    return
  }
  func.func @transform_0(%arg0: i32) -> (i32, i32) {
    %c0_i32 = arith.constant 0 : i32
    %c0_i32_0 = arith.constant 0 : i32
    %c0_i32_1 = arith.constant 0 : i32
    return %c0_i32, %c0_i32_0 : i32, i32
  }
  func.func @transform_1(%arg0: i32) -> (i32, i32) {
    %c0_i32 = arith.constant 0 : i32
    %c0_i32_0 = arith.constant 0 : i32
    %c0_i32_1 = arith.constant 0 : i32
    return %c0_i32, %c0_i32_0 : i32, i32
  }
  func.func @transform_2(%arg0: i32) -> (i32, i32) {
    %c0_i32 = arith.constant 0 : i32
    %c0_i32_0 = arith.constant 0 : i32
    %c0_i32_1 = arith.constant 0 : i32
    return %c0_i32, %c0_i32_0 : i32, i32
  }
  func.func @transform_3(%arg0: i32) -> (i32, i32) {
    %c0_i32 = arith.constant 0 : i32
    %c0_i32_0 = arith.constant 0 : i32
    %c0_i32_1 = arith.constant 0 : i32
    return %c0_i32, %c0_i32_0 : i32, i32
  }
  func.func @transform_4(%arg0: i32) -> (i32, i32) {
    %c0_i32 = arith.constant 0 : i32
    %c0_i32_0 = arith.constant 0 : i32
    %c0_i32_1 = arith.constant 0 : i32
    return %c0_i32, %c0_i32_0 : i32, i32
  }
  func.func @transform_5(%arg0: i32) -> (i32, i32) {
    %c0_i32 = arith.constant 0 : i32
    %c0_i32_0 = arith.constant 0 : i32
    %c0_i32_1 = arith.constant 0 : i32
    return %c0_i32, %c0_i32_0 : i32, i32
  }
  func.func @transform_6(%arg0: i32) -> (i32, i32) {
    %c0_i32 = arith.constant 0 : i32
    %c0_i32_0 = arith.constant 0 : i32
    %c0_i32_1 = arith.constant 0 : i32
    return %c0_i32, %c0_i32_0 : i32, i32
  }
  func.func @transform_7(%arg0: i32) -> (i32, i32) {
    %c0_i32 = arith.constant 0 : i32
    %c0_i32_0 = arith.constant 0 : i32
    %c0_i32_1 = arith.constant 0 : i32
    return %c0_i32, %c0_i32_0 : i32, i32
  }
  func.func @transform_8(%arg0: i32) -> (i32, i32) {
    %c0_i32 = arith.constant 0 : i32
    %c0_i32_0 = arith.constant 0 : i32
    %c0_i32_1 = arith.constant 0 : i32
    return %c0_i32, %c0_i32_0 : i32, i32
  }
}

</mosaic_0001>

<sc_bundles>
// kernel: gather_offload_async_start.1
scs
__scs_entry_jumppad:
0x0: {  	(pc) =	sbr.rel $0x88, $3  }
0x1: {  	(tag) =	ssettag $0x0;
	lr =	simm.s32 $0x1  }
0x2: {  	[smem:$0x3F9E] =	sst lr;
	_ =	strace $0xD0000000  }
0x3: {  	_ = 	snop  }
0x4: {  	_ = 	snop  }
0x5: {  	_ = 	snop  }
0x6: {  	_ = 	snop  }
0x7: {  	_ = 	snop  }
__scs_overlays_trampoline_lowered:
0x8: {  	[smem:$0x3FAD] =	sst s0  }
0x9: {  	[smem:$0x3FAE] =	sst s1  }
0xa: {  	[smem:$0x3FAF] =	sst s2  }
0xb: {  	[smem:$0x3FB0] =	sst s3  }
0xc: {  	[smem:$0x3FB1] =	sst s4  }
0xd: {  	[smem:$0x3FB2] =	sst s5  }
0xe: {  	[smem:$0x3FB3] =	sst s6  }
0xf: {  	[smem:$0x3FB4] =	sst s7  }
0x10: {  	[smem:$0x3FB5] =	sst s8  }
0x11: {  	[smem:$0x3FB6] =	sst s9;
	s0 =	simm.s32 @!p0 $0x0  }
0x12: {  	s1 =	sld [smem:$0x3F9C];
	s0 =	simm.s32 @p0 $0x1  }
0x13: {  	[smem:$0x3FB7] =	sst s0;
	s0 =	simm.s32 @!p1 $0x0  }
0x14: {  	s2 =	sld [smem:$0x3F9B];
	s0 =	simm.s32 @p1 $0x1  }
0x15: {  	[smem:$0x3FB8] =	sst s0;
	s0 =	simm.s32 @!p2 $0x0  }
0x16: {  	s3 =	sld [smem:$0x3FDB];
	s0 =	simm.s32 @p2 $0x1  }
0x17: {  	s4 =	simm.s32 $0x1BF5;
	[smem:$0x3FBA] =	sst s0  }
0x18: {  	s0 =	sld [smem:$0x3F9D];
	_ =	swait.ge [sflag:s4], $0x0  }
0x19: {  	s7 =	sld [smem:$0x3F9E]  }
0x1a: {  	s8 =	sadd.s32 $0xFFFFE003, lr  }
0x1b: {  	s9 =	sadd.s32 $0xFFFFFEF7, lr;
	s5 =	simm.s32 $0xFFFFFFFF;
	p2 =	slt.u32 s8, $0xFFFFF086  }
0x1c: {  	p1 =	slt.u32 s9, $0xF7A;
	s5 =	simm.s32 @!p2 $0x0  }
0x1d: {  	s5 =	simm.s32 @p1 $0x1;
	p0 =	seq.s32 s7, s2  }
0x1e: {  	s7 =	smul.u32 @!p0 $0xF7A, s2;
	p2 =	seq.s32 @!p0 s5, $0x0  }
0x1f: {  	s9 =	smul.u32 $0xF7A, s1;
	s8 =	simm.s32 @!p0 $0x1BF5;
	p2 =	por !p2, p0  }
0x20: {  	[sflag:s8] =	ssyncset.s32 @!p0 $0xFFFFF086;
	s6 =	sadd.s32 @!p0 s3, s7;
	s7 =	simm.s32 @!p0 $0x108  }
0x21: {  	s3 =	sadd.s32 s3, s9;
	s6 =	sadd.s32 @!p0 $0x88, s6;
	s7 =	simm.s32 @p2 $0x1082  }
0x22: {  	[simem:s7], [sflag:s8] =	dma.local @!p0 [hbm:s6], $0xF7A  }
0x23: {  	s9 =	sor.u32 $0xD0000000, s2;
	s6 =	simm.s32 $0x108;
	_ =	swait.ge @!p0 [sflag:s8], $0x0  }
0x24: {  	s3 =	sadd.s32 $0x88, s3;
	s6 =	simm.s32 @!p1 $0x1082;
	[sflag:s4] =	ssyncset.s32 $0xFFFFF086  }
0x25: {  	[simem:s6], [sflag:s4] =	dma.local [hbm:s3], $0xF7A  }
0x26: {  	[smem:$0x3F9E] =	sst s1;
	(tag) =	ssettag s2;
	_ =	strace s9  }
0x27: {  	s1 =	sld [smem:$0x3FAE]  }
0x28: {  	s2 =	sld [smem:$0x3FAF]  }
0x29: {  	s4 =	sld [smem:$0x3FB1]  }
0x2a: {  	p0 =	seq.s32 s5, $0x0;
	s5 =	sld [smem:$0x3FB2]  }
0x2b: {  	s6 =	sld [smem:$0x3FB3]  }
0x2c: {  	s7 =	sld [smem:$0x3FB4]  }
0x2d: {  	s3 =	simm.s32 $0x108;
	s8 =	sld [smem:$0x3FB5]  }
0x2e: {  	s3 =	simm.s32 @!p0 $0x1082;
	s9 =	sld [smem:$0x3FB6]  }
0x2f: {  	lr =	sadd.s32 s0, s3;
	s0 =	sld [smem:$0x3FAD]  }
0x30: {  	s3 =	sld [smem:$0x3FB0]  }
0x31: {  	[smem:$0x3FB9] =	sst s10  }
0x32: {  	s10 =	sld [smem:$0x3FB7];
	_ =	sdelay $0x3  }
0x33: {  	p0 =	seq.s32 s10, $0x1;
	s10 =	sld [smem:$0x3FB9];
	_ =	sdelay $0x3  }
0x34: {  	[smem:$0x3FB9] =	sst s10  }
0x35: {  	s10 =	sld [smem:$0x3FB8];
	_ =	sdelay $0x3  }
0x36: {  	p1 =	seq.s32 s10, $0x1;
	s10 =	sld [smem:$0x3FB9];
	_ =	sdelay $0x3  }
0x37: {  	[smem:$0x3FB9] =	sst s10  }
0x38: {  	s10 =	sld [smem:$0x3FBA]  }
0x39: {  	_ = 	snop;
	(pc) =	sbr.ind lr, $3  }
0x3a: {  	_ = 	snop  }
0x3b: {  	_ = 	snop  }
0x3c: {  	p2 =	seq.s32 s10, $0x1;
	s10 =	sld [smem:$0x3FB9]  }
0x3d: {  	_ =	shalt  }
0x3e: {  	_ =	shalt  }
0x3f: {  	_ =	shalt  }
0x40: {  	_ =	shalt  }
0x41: {  	_ =	shalt  }
0x42: {  	_ =	shalt  }
0x43: {  	_ =	shalt  }
0x44: {  	_ =	shalt  }
0x45: {  	_ =	shalt  }
0x46: {  	_ =	shalt  }
0x47: {  	_ =	shalt  }
0x48: {  	_ =	shalt  }
0x49: {  	_ =	shalt  }
0x4a: {  	_ =	shalt  }
0x4b: {  	_ =	shalt  }
0x4c: {  	_ =	shalt  }
0x4d: {  	_ =	shalt  }
0x4e: {  	_ =	shalt  }
0x4f: {  	_ =	shalt  }
0x50: {  	_ =	shalt  }
0x51: {  	_ =	shalt  }
0x52: {  	_ =	shalt  }
0x53: {  	_ =	shalt  }
0x54: {  	_ =	shalt  }
0x55: {  	_ =	shalt  }
0x56: {  	_ =	shalt  }
0x57: {  	_ =	shalt  }
0x58: {  	_ =	shalt  }
0x59: {  	_ =	shalt  }
0x5a: {  	_ =	shalt  }
0x5b: {  	_ =	shalt  }
0x5c: {  	_ =	shalt  }
0x5d: {  	_ =	shalt  }
0x5e: {  	_ =	shalt  }
0x5f: {  	_ =	shalt  }
0x60: {  	_ =	shalt  }
0x61: {  	_ =	shalt  }
0x62: {  	_ =	shalt  }
0x63: {  	_ =	shalt  }
0x64: {  	_ =	shalt  }
0x65: {  	_ =	shalt  }
0x66: {  	_ =	shalt  }
0x67: {  	_ =	shalt  }
0x68: {  	_ =	shalt  }
0x69: {  	_ =	shalt  }
0x6a: {  	_ =	shalt  }
0x6b: {  	_ =	shalt  }
0x6c: {  	_ =	shalt  }
0x6d: {  	_ =	shalt  }
0x6e: {  	_ =	shalt  }
0x6f: {  	_ =	shalt  }
0x70: {  	_ =	shalt  }
0x71: {  	_ =	shalt  }
0x72: {  	_ =	shalt  }
0x73: {  	_ =	shalt  }
0x74: {  	_ =	shalt  }
0x75: {  	_ =	shalt  }
0x76: {  	_ =	shalt  }
0x77: {  	_ =	shalt  }
0x78: {  	_ =	shalt  }
0x79: {  	_ =	shalt  }
0x7a: {  	_ =	shalt  }
0x7b: {  	_ =	shalt  }
0x7c: {  	_ =	shalt  }
0x7d: {  	_ =	shalt  }
0x7e: {  	_ =	shalt  }
0x7f: {  	_ =	shalt  }
0x80: {  	_ =	shalt  }
0x81: {  	_ =	shalt  }
0x82: {  	_ =	shalt  }
0x83: {  	_ =	shalt  }
0x84: {  	_ =	shalt  }
0x85: {  	_ =	shalt  }
0x86: {  	_ =	shalt  }
0x87: {  	_ =	shalt  }
.Lfunc_end0:
.L_simem_size_0:
called_computation.1_lowered:
.L_overlay_start_0:
0x88: {  	s2 =	sld [smem:$0x3FD9]  }
0x89: {  	s3 =	sld [smem:$0x3FFE];
	_ =	sdelay $0x1  }
0x8a: {  	s1 =	srdreg.scid  }
0x8b: {  	s0 =	sand.u32 $0x1, s1  }
0x8c: {  	s17 =	sshll.u32 s0, $0xA;
	s2 =	sadd.s32 s3, s2  }
0x8d: {  	s2 =	sadd.s32 s2, s17  }
0x8e: {  	[smem:$0x3FC5] =	sst s2  }
0x8f: {  	_ = 	snop  }
0x90: {  	s18 =	sld [smem:$0x3FC8];
	(tm) =	ssettm $0x1  }
0x91: {  	s19 =	sld [smem:$0x3FFB];
	_ =	sdelay $0x3  }
0x92: {  	_ =	strace s19  }
0x93: {  	s2 =	sld [smem:$0x3FFC];
	_ =	sdelay $0x3  }
0x94: {  	_ =	strace s2  }
0x95: {  	s2 =	sld [smem:$0x3FFD];
	_ =	sdelay $0x3  }
0x96: {  	_ =	strace s2  }
0x97: {  	_ =	strace $0x8FFFFFFF  }
0x98: {  	s20 =	sld [smem:$0x3FDB];
	_ =	sdelay $0x1  }
0x99: {  	s4 =	simm.s32 $_scs_section_size  }
0x9a: {  	s5 =	simm.s32 $_size__tile_overlayer_lowered;
	s6 =	simm.s32 $_tile_overlayer_lowered  }
0x9b: {  	s7 =	simm.s32 $0x1BFF;
	s21 =	sshll.u32 s6, $0x1;
	s4 =	sadd.s32 s4, s20  }
0x9c: {  	s22 =	simm.s32 $0x0;
	s5 =	sshll.u32 s5, $0x1;
	s6 =	sadd.s32 s21, s4  }
0x9d: {  	[timem:s22], [sflag:s7] =	dma.local [hbm:s6], s5  }
0x9e: {  	_ =	swait.ge [sflag:s7], s5  }
0x9f: {  	s5 =	ssub.s32 $0x0, s5;
	[sflag:s7] =	ssyncset.done $0x0  }
0xa0: {  	[sflag:s7] =	ssyncadd.s32 s5;
	_ =	sdelay $0x1  }
0xa1: {  	s23 =	simm.s32 $0x1B8B  }
0xa2: {  	_ =	swait.ge [sflag:s23], $0x1  }
0xa3: {  	[sflag:s23] =	ssyncset.done $0x0  }
0xa4: {  	[sflag:s23] =	ssyncadd.s32 $0xFFFFFFFF  }
0xa5: {  	s5 =	sld [smem:$0x0]  }
0xa6: {  	s6 =	sand.u32 $0xFFFFFFFE, s1  }
0xa7: {  	p0 =	sne.s32 s1, s6  }
0xa8: {  	s6 =	sshll.u32 @p0 s6, $0xE  }
0xa9: {  	s6 =	sadd.s32 @p0 $0x11B8D, s6;
	s7 =	sshll.u32 @p0 s5, $0x11  }
0xaa: {  	s6 =	sor.u32 @p0 s7, s6  }
0xab: {  	[sflag:s6] =	ssyncadd.remote.s32 @p0 $0x1;
	_ =	sdelay $0x1  }
0xac: {  	s6 =	simm.s32 @p0 $0x1B8D  }
0xad: {  	_ =	swait.eq @p0 [sflag:s6], $0x1  }
0xae: {  	[sflag:s6] =	ssyncadd.s32 @p0 $0xFFFFFFFF  }
0xaf: {  	s7 =	sshll.u32 @!p0 s1, $0xE  }
0xb0: {  	s7 =	sor.u32 @!p0 $0x4000, s7;
	s6 =	simm.s32 @!p0 $0x1B8D  }
0xb1: {  	s5 =	sshll.u32 @!p0 s5, $0x11;
	s7 =	sadd.s32 @!p0 $0x11B8D, s7;
	_ =	swait.eq @!p0 [sflag:s6], $0x1  }
0xb2: {  	s5 =	sor.u32 @!p0 s5, s7;
	[sflag:s6] =	ssyncadd.s32 @!p0 $0xFFFFFFFF  }
0xb3: {  	s25 =	simm.s32 $0x1B8E;
	s24 =	sld [smem:$0x3FFE];
	[sflag:s5] =	ssyncadd.remote.s32 @!p0 $0x1  }
0xb4: {  	s26 =	simm.s32 $execute0_lowered;
	[smem:$0x3FD2] =	sst s25  }
0xb5: {  	s6 =	sshll.u32 s26, $0x1;
	_ =	strace $0x80000049;
	[dreg:$0x1] =	wrdreg $0xFFFFFFFF  }
0xb6: {  	s28 =	simm.s32 $_size_execute0_lowered;
	s4 =	sadd.s32 s4, s6;
	[dreg:$0x0] =	wrdreg $0x0  }
0xb7: {  	s6 =	sshll.u32 s28, $0x1;
	[dreg:$0x2] =	wrdreg s4  }
0xb8: {  	[dreg:$0x3] =	wrdreg s6  }
0xb9: {  	[dreg:$0x4] =	wrdreg $0xC0  }
0xba: {  	_ =	task [dreg:s22], $0x5FFFF  }
0xbb: {  	[dreg:$0x1] =	wrdreg $0xFFFFFFFF  }
0xbc: {  	[dreg:$0x0] =	wrdreg $0x60  }
0xbd: {  	[dreg:$0x2] =	wrdreg s18  }
0xbe: {  	[dreg:$0x3] =	wrdreg s24  }
0xbf: {  	[dreg:$0x4] =	wrdreg $0x9  }
0xc0: {  	_ =	task.clear_ibuf [dreg:s22], $0x5FFFF;
	_ =	strace $0x90000049  }
0xc1: {  	s29 =	simm.s32 $0x9;
	_ =	strace $0x8000004B  }
0xc2: {  	_ =	swait.ge [sflag:s29], $0x1  }
0xc3: {  	[sflag:s29] =	ssyncadd.s32 $0xFFFFFFFF  }
0xc4: {  	_ =	strace $0x9000004B  }
0xc5: {  	_ =	sfence  }
0xc6: {  	s30 =	sld [smem:$0x0];
	_ =	sdelay $0x2  }
0xc7: {  	s31 =	sshll.u32 s1, $0xD;
	s1 =	sshrl.u32 s1, $0x2  }
0xc8: {  	s4 =	sand.u32 $0x4000, s31;
	s1 =	sadd.s32 s1, s30  }
0xc9: {  	s0 =	sor.u32 s4, s0;
	s1 =	sshll.u32 s1, $0x11  }
0xca: {  	s0 =	sor.u32 s1, s0  }
0xcb: {  	s0 =	sadd.s32 $0x8F2B, s0  }
0xcc: {  	[sflag:s0] =	ssyncadd.remote.s32 $0x1  }
0xcd: {  	_ =	sfence.sel $0xFFFF  }
0xce: {  	[dreg:$0x0] =	wrdreg $0xFFFFFFFF;
	(pc) =	sbr.abs _section_cstart, $3  }
0xcf: {  	[dreg:$0x1] =	wrdreg $0xFFFFFFFF  }
0xd0: {  	_ =	task.clear_ibuf [dreg:s22], $0x2FFFF;
	_ =	strace $0x9FFFFFFF  }
0xd1: {  	(tm) =	ssettm $0x7FFFFFFF  }
tec
execute0_lowered:
.L_overlay_start_1:
0x0: {  	(tag) =	ssettag $0x1  }
0x1: {  	s1 =	srdreg.scid;
	s2 =	rddreg [dreg:$0x0]  }
0x2: {  	s0 =	stileid.u32;
	s5 =	rddreg [dreg:$0x1];
	s6 =	simm.s32 $0x1  }
0x3: {  	s9 =	simm.s32 $0x1;
	s10 =	simm.s32 $0x3;
	s1 =	sshll.u32 s1, $0x7  }
0x4: {  	s13 =	simm.s32 $0x0;
	s3 =	sshll.u32 s0, $0x8;
	s4 =	sand.u32 $0x80, s1  }
0x5: {  	s12 =	simm.s32 $0x0;
	s1 =	rddreg [dreg:$0x2];
	s3 =	sor.u32 s3, s4  }
0x6: {  	_ =	strace $0x8000004A;
	s4 =	sadd.s32 $0x400, s5;
	s8 =	ssub.s32 $0x2000, s3  }
.Ltmp0:
0x7: {  	s5 =	sadd.s32 $0xC00, s5;
	s7 =	sand.u32 $0xF80, s8;
	(pc) =	sbr.rel .LBB2_1-.Ltmp0, $4  }
0x8: {  	[sflag:s6] =	ssyncpa.u1 $0x0;
	s11 =	smov.u32 s3;
	p0 =	sne.s32 s7, $0x0  }
0x9: {  	s8 =	sshrl.u32 s8, $0xC;
	s7 =	simm.s32 $0x2;
	s9 =	simm.s32 @!p0 $0x0  }
0xa: {  	[sflag:s7] =	ssyncpa.u1 $0x0;
	p0 =	por $0x0, $0x0;
	s8 =	sadd.s32 s9, s8  }
0xb: {  	vm0 =	vmmov $0xffff;
	[sflag:s10] =	ssyncpa.u1 $0x0;
	s10 =	simm.s32 $0x0;
	s9 =	sadd.s32 $0x1, s8  }
.LBB2_4:
0xc: {  	v2 =	vnsel vm1, $0x0, v2  }
0xd: {  	vm1 =	vgt.s32 v0, $0x0;
	v2 =	vmin.u32 v2, $0x1FFF  }
0xe: {  	v0 =	vnsel vm1, $0x0, v0  }
0xf: {  	v0 =	vmin.u32 v0, $0x1FFF  }
0x10: {  	[tilespmem:s15], [sflag:$0x1] =	stream.indirect_vreg.gather [hbm4b:s2+s10], $0x1, v1, vm0, $0x4038;
	[tilespmem:$0x200] =	vst v63  }
0x11: {  	(ifvalue) =	ssetifvalue $0x7FFFFFFF  }
0x12: {  	[tilespmem:s16], [sflag:$0x1] =	stream.indirect_vreg.gather [hbm4b:s2+s10], $0x1, v2, vm0, $0x4038;
	[tilespmem:$0x200] =	vst v63  }
0x13: {  	s29 =	sadd.s32 $0x10, s16;
	(ifvalue) =	ssetifvalue $0x7FFFFFFF  }
0x14: {  	[tilespmem:s29], [sflag:$0x1] =	stream.indirect_vreg.gather [hbm4b:s2+s10], $0x1, v0, vm0, $0x4038;
	[tilespmem:$0x200] =	vst v63  }
0x15: {  	_ =	swait.ge [sflag:s6], $0x80  }
0x16: {  	s30 =	sshrl.u32 s13, $0x3;
	[sflag:s6] =	ssyncset.done $0x0  }
0x17: {  	s31 =	sand.u32 $0x7, s13;
	s15 =	sadd.s32 s5, s30;
	[sflag:s6] =	ssyncadd.s32 $0xFFFFFF80  }
0x18: {  	[hbm4b:s15+s31] =	stream.linear.scatter [tilespmem:s14], [sflag:$0x3], $0x80, $0x38;
	[tilespmem:$0x200] =	vst v63  }
.LBB2_5:
0x19: {  	s15 =	sadd.s32 $0x1000, s11  }
0x1a: {  	p2 =	sgt.s32 s15, $0x1FFF  }
0x1b: {  	s15 =	smov.u32 @p2 s3;
	p2 =	sne.s32 s12, s9  }
.Ltmp1:
0x1c: {  	p1 =	slt.u32 s12, $0x2;
	(pc) =	sbr.rel @!p2 .LBB2_6-.Ltmp1, $4  }
0x1d: {  	s14 =	simm.s32 @!p1 $0x3  }
0x1e: {  	s16 =	sadd.s32 $0x1, s12;
	_ =	swait.ge @!p1 [sflag:s14], $0x80  }
0x1f: {  	s13 =	smov.u32 s11;
	p0 =	por !p0, !p0;
	[sflag:s14] =	ssyncset.done @!p1 $0x0  }
0x20: {  	s12 =	smov.u32 s16;
	s11 =	smov.u32 s15;
	[sflag:s14] =	ssyncadd.s32 @!p1 $0xFFFFFF80  }
.LBB2_1:
0x21: {  	p1 =	sge.u32 s12, s8  }
0x22: {  	s14 =	sxor.u32 @!p1 $0xFFFFFFFF, s12  }
0x23: {  	s31 =	sadd.s32 $0xFFFFFFFF, s12;
	s15 =	sshrl.u32 @!p1 s11, $0x3;
	s14 =	sshll.u32 @!p1 s14, $0x7  }
0x24: {  	s16 =	sand.u32 @!p1 $0x7, s11;
	s15 =	sadd.s32 @!p1 s4, s15;
	s14 =	sand.u32 @!p1 $0x80, s14  }
0x25: {  	[tilespmem:s14], [sflag:$0x2] =	stream.linear.gather @!p1 [hbm4b:s15+s16], $0x80, $0x38;
	[tilespmem:$0x200] =	vst v63  }
0x26: {  	p1 =	sge.u32 s31, s8  }
.Ltmp2:
0x27: {  	_ = 	snop;
	(pc) =	sbr.rel @p1 .LBB2_5-.Ltmp2, $1  }
0x28: {  	_ =	sdelay $0x3  }
0x29: {  	s14 =	simm.s32 $0x1  }
0x2a: {  	_ =	swait.ge [sflag:s7], $0x80;
	s14 =	simm.s32 @!p0 $0x0  }
0x2b: {  	[sflag:s7] =	ssyncset.done $0x0;
	s14 =	sshll.u32 s14, $0x7  }
0x2c: {  	[sflag:s7] =	ssyncadd.s32 $0xFFFFFF80;
	(ifvalue) =	ssetifvalue $0x7FFFFFFF;
	v0 =	vld.msk [tilespmem:s14+$0x0 ss:$0x1], $0xffff;
	_ =	sdelay $0x4  }
0x2d: {  	s15 =	sadd.s32 $0x10, s14;
	vm1 =	vgt.s32 v0, $0x0  }
0x2e: {  	v2 =	vld.msk [tilespmem:s15+$0x0 ss:$0x1], $0xffff;
	v1 =	vnsel vm1, $0x0, v0  }
0x2f: {  	v1 =	vmin.u32 v1, $0x1FFF;
	_ =	sdelay $0x1  }
0x30: {  	s16 =	sshll.u32 s12, $0x7;
	s18 =	simm.s32 $0x20  }
0x31: {  	s16 =	sand.u32 $0x80, s16;
	s17 =	sadd.s32 $0x10, s15;
	s15 =	sor.u32 $0x100, s14  }
0x32: {  	s14 =	sor.u32 $0x100, s16;
	s16 =	sadd.s32 $0x10, s15;
	v0 =	vld.msk [tilespmem:s17+$0x0 ss:$0x1], $0xffff;
	vm1 =	vgt.s32 v2, $0x0;
	(ifvalue) =	ssetifvalue $0x7FFFFFFF  }
.LBB2_3:
0x33: {  	[tilespmem:s15], [sflag:$0x1] =	stream.indirect_vreg.gather [hbm4b:s2+s10], $0x1, v1, vm0, $0x4038;
	[tilespmem:$0x200] =	vst v63  }
0x34: {  	s18 =	sadd.s32 $0x10, s18  }
0x35: {  	v2 =	vnsel vm1, $0x0, v2;
	p1 =	slt.u32 s18, $0x70  }
.Ltmp3:
0x36: {  	s15 =	smov.u32 s16;
	v1 =	vmin.u32 v2, $0x1FFF;
	(pc) =	sbr.rel @p1 .LBB2_3-.Ltmp3, $3  }
0x37: {  	_ =	sdelay $0x1  }
0x38: {  	s17 =	sadd.s32 $0x10, s17  }
0x39: {  	vm1 =	vgt.s32 v0, $0x0;
	s16 =	sadd.s32 $0x10, s16;
	v2 =	vmov v0;
	(ifvalue) =	ssetifvalue $0x7FFFFFFF;
	v0 =	vld.msk [tilespmem:s17+$0x0 ss:$0x1], $0xffff  }
.Ltmp4:
0x3a: {  	_ = 	snop;
	(pc) =	sbr.rel .LBB2_4-.Ltmp4, $1  }
0x3b: {  	_ =	sdelay $0x3  }
.LBB2_6:
0x3c: {  	_ =	sfence.sel $0x180000  }
0x3d: {  	s2 =	simm.s32 $0x2;
	[bflag:$0x0] =	sbarrier.arrive $0xFFFF  }
0x3e: {  	s30 =	simm.s32 $0x3;
	[sflag:s2] =	ssyncpa.u1 $0x1  }
0x3f: {  	s31 =	simm.s32 $0x1;
	[sflag:s30] =	ssyncpa.u1 $0x1  }
0x40: {  	[sflag:s31] =	ssyncpa.u1 $0x1  }
0x41: {  	p0 =	sne.s32 s0, $0x0;
	_ =	strace $0x9000004A  }
0x42: {  	s0 =	sadd.s32 @!p0 $0x100000, s1;
	[bflag:$0x2] =	sbarrier.arrive $0xFFFF  }
0x43: {  	[sflag:s0] =	ssyncadd.tile.s32 @!p0 $0x1;
	_ =	shalt  }
.Lfunc_end2:
_tile_overlayer_lowered:
.L_overlay_start_2:
0x44: {  	(tag) =	ssettag $0x2  }
0x45: {  	s0 =	rddreg [dreg:$0x0];
	s2 =	stileid.u32  }
0x46: {  	s1 =	rddreg [dreg:$0x1];
	p0 =	sne.s32 s2, $0x0  }
0x47: {  	s3 =	rddreg [dreg:$0x2];
	[bflag:$0x3] =	sbarrier.arrive $0xFFFF;
	s2 =	simm.s32 @!p0 $0x1C01  }
0x48: {  	[timem:s3], [sflag:s2] =	dma.local @!p0 [hbm:s0], s1  }
0x49: {  	s0 =	simm.s32 @!p0 $0x1  }
0x4a: {  	_ =	swait.ge @!p0 [sflag:s0], s1  }
0x4b: {  	s1 =	ssub.s32 @!p0 $0x0, s1;
	[sflag:s0] =	ssyncset.done @!p0 $0x0  }
0x4c: {  	[sflag:s0] =	ssyncadd.s32 @!p0 s1  }
0x4d: {  	[bflag:$0x3] =	sbarrier.arrive $0xFFFF  }
0x4e: {  	_ =	shalt  }

// kernel: gather_offload_async_start.2
scs
__scs_entry_jumppad:
0x0: {  	(pc) =	sbr.rel $0x88, $3  }
0x1: {  	(tag) =	ssettag $0x0;
	lr =	simm.s32 $0x1  }
0x2: {  	[smem:$0x3F9E] =	sst lr;
	_ =	strace $0xD0000000  }
0x3: {  	_ = 	snop  }
0x4: {  	_ = 	snop  }
0x5: {  	_ = 	snop  }
0x6: {  	_ = 	snop  }
0x7: {  	_ = 	snop  }
__scs_overlays_trampoline_lowered:
0x8: {  	[smem:$0x3FAD] =	sst s0  }
0x9: {  	[smem:$0x3FAE] =	sst s1  }
0xa: {  	[smem:$0x3FAF] =	sst s2  }
0xb: {  	[smem:$0x3FB0] =	sst s3  }
0xc: {  	[smem:$0x3FB1] =	sst s4  }
0xd: {  	[smem:$0x3FB2] =	sst s5  }
0xe: {  	[smem:$0x3FB3] =	sst s6  }
0xf: {  	[smem:$0x3FB4] =	sst s7  }
0x10: {  	[smem:$0x3FB5] =	sst s8  }
0x11: {  	[smem:$0x3FB6] =	sst s9;
	s0 =	simm.s32 @!p0 $0x0  }
0x12: {  	s1 =	sld [smem:$0x3F9C];
	s0 =	simm.s32 @p0 $0x1  }
0x13: {  	[smem:$0x3FB7] =	sst s0;
	s0 =	simm.s32 @!p1 $0x0  }
0x14: {  	s2 =	sld [smem:$0x3F9B];
	s0 =	simm.s32 @p1 $0x1  }
0x15: {  	[smem:$0x3FB8] =	sst s0;
	s0 =	simm.s32 @!p2 $0x0  }
0x16: {  	s3 =	sld [smem:$0x3FDB];
	s0 =	simm.s32 @p2 $0x1  }
0x17: {  	s4 =	simm.s32 $0x1BF5;
	[smem:$0x3FBA] =	sst s0  }
0x18: {  	s0 =	sld [smem:$0x3F9D];
	_ =	swait.ge [sflag:s4], $0x0  }
0x19: {  	s7 =	sld [smem:$0x3F9E]  }
0x1a: {  	s8 =	sadd.s32 $0xFFFFE003, lr  }
0x1b: {  	s9 =	sadd.s32 $0xFFFFFEF7, lr;
	s5 =	simm.s32 $0xFFFFFFFF;
	p2 =	slt.u32 s8, $0xFFFFF086  }
0x1c: {  	p1 =	slt.u32 s9, $0xF7A;
	s5 =	simm.s32 @!p2 $0x0  }
0x1d: {  	s5 =	simm.s32 @p1 $0x1;
	p0 =	seq.s32 s7, s2  }
0x1e: {  	s7 =	smul.u32 @!p0 $0xF7A, s2;
	p2 =	seq.s32 @!p0 s5, $0x0  }
0x1f: {  	s9 =	smul.u32 $0xF7A, s1;
	s8 =	simm.s32 @!p0 $0x1BF5;
	p2 =	por !p2, p0  }
0x20: {  	[sflag:s8] =	ssyncset.s32 @!p0 $0xFFFFF086;
	s6 =	sadd.s32 @!p0 s3, s7;
	s7 =	simm.s32 @!p0 $0x108  }
0x21: {  	s3 =	sadd.s32 s3, s9;
	s6 =	sadd.s32 @!p0 $0x88, s6;
	s7 =	simm.s32 @p2 $0x1082  }
0x22: {  	[simem:s7], [sflag:s8] =	dma.local @!p0 [hbm:s6], $0xF7A  }
0x23: {  	s9 =	sor.u32 $0xD0000000, s2;
	s6 =	simm.s32 $0x108;
	_ =	swait.ge @!p0 [sflag:s8], $0x0  }
0x24: {  	s3 =	sadd.s32 $0x88, s3;
	s6 =	simm.s32 @!p1 $0x1082;
	[sflag:s4] =	ssyncset.s32 $0xFFFFF086  }
0x25: {  	[simem:s6], [sflag:s4] =	dma.local [hbm:s3], $0xF7A  }
0x26: {  	[smem:$0x3F9E] =	sst s1;
	(tag) =	ssettag s2;
	_ =	strace s9  }
0x27: {  	s1 =	sld [smem:$0x3FAE]  }
0x28: {  	s2 =	sld [smem:$0x3FAF]  }
0x29: {  	s4 =	sld [smem:$0x3FB1]  }
0x2a: {  	p0 =	seq.s32 s5, $0x0;
	s5 =	sld [smem:$0x3FB2]  }
0x2b: {  	s6 =	sld [smem:$0x3FB3]  }
0x2c: {  	s7 =	sld [smem:$0x3FB4]  }
0x2d: {  	s3 =	simm.s32 $0x108;
	s8 =	sld [smem:$0x3FB5]  }
0x2e: {  	s3 =	simm.s32 @!p0 $0x1082;
	s9 =	sld [smem:$0x3FB6]  }
0x2f: {  	lr =	sadd.s32 s0, s3;
	s0 =	sld [smem:$0x3FAD]  }
0x30: {  	s3 =	sld [smem:$0x3FB0]  }
0x31: {  	[smem:$0x3FB9] =	sst s10  }
0x32: {  	s10 =	sld [smem:$0x3FB7];
	_ =	sdelay $0x3  }
0x33: {  	p0 =	seq.s32 s10, $0x1;
	s10 =	sld [smem:$0x3FB9];
	_ =	sdelay $0x3  }
0x34: {  	[smem:$0x3FB9] =	sst s10  }
0x35: {  	s10 =	sld [smem:$0x3FB8];
	_ =	sdelay $0x3  }
0x36: {  	p1 =	seq.s32 s10, $0x1;
	s10 =	sld [smem:$0x3FB9];
	_ =	sdelay $0x3  }
0x37: {  	[smem:$0x3FB9] =	sst s10  }
0x38: {  	s10 =	sld [smem:$0x3FBA]  }
0x39: {  	_ = 	snop;
	(pc) =	sbr.ind lr, $3  }
0x3a: {  	_ = 	snop  }
0x3b: {  	_ = 	snop  }
0x3c: {  	p2 =	seq.s32 s10, $0x1;
	s10 =	sld [smem:$0x3FB9]  }
0x3d: {  	_ =	shalt  }
0x3e: {  	_ =	shalt  }
0x3f: {  	_ =	shalt  }
0x40: {  	_ =	shalt  }
0x41: {  	_ =	shalt  }
0x42: {  	_ =	shalt  }
0x43: {  	_ =	shalt  }
0x44: {  	_ =	shalt  }
0x45: {  	_ =	shalt  }
0x46: {  	_ =	shalt  }
0x47: {  	_ =	shalt  }
0x48: {  	_ =	shalt  }
0x49: {  	_ =	shalt  }
0x4a: {  	_ =	shalt  }
0x4b: {  	_ =	shalt  }
0x4c: {  	_ =	shalt  }
0x4d: {  	_ =	shalt  }
0x4e: {  	_ =	shalt  }
0x4f: {  	_ =	shalt  }
0x50: {  	_ =	shalt  }
0x51: {  	_ =	shalt  }
0x52: {  	_ =	shalt  }
0x53: {  	_ =	shalt  }
0x54: {  	_ =	shalt  }
0x55: {  	_ =	shalt  }
0x56: {  	_ =	shalt  }
0x57: {  	_ =	shalt  }
0x58: {  	_ =	shalt  }
0x59: {  	_ =	shalt  }
0x5a: {  	_ =	shalt  }
0x5b: {  	_ =	shalt  }
0x5c: {  	_ =	shalt  }
0x5d: {  	_ =	shalt  }
0x5e: {  	_ =	shalt  }
0x5f: {  	_ =	shalt  }
0x60: {  	_ =	shalt  }
0x61: {  	_ =	shalt  }
0x62: {  	_ =	shalt  }
0x63: {  	_ =	shalt  }
0x64: {  	_ =	shalt  }
0x65: {  	_ =	shalt  }
0x66: {  	_ =	shalt  }
0x67: {  	_ =	shalt  }
0x68: {  	_ =	shalt  }
0x69: {  	_ =	shalt  }
0x6a: {  	_ =	shalt  }
0x6b: {  	_ =	shalt  }
0x6c: {  	_ =	shalt  }
0x6d: {  	_ =	shalt  }
0x6e: {  	_ =	shalt  }
0x6f: {  	_ =	shalt  }
0x70: {  	_ =	shalt  }
0x71: {  	_ =	shalt  }
0x72: {  	_ =	shalt  }
0x73: {  	_ =	shalt  }
0x74: {  	_ =	shalt  }
0x75: {  	_ =	shalt  }
0x76: {  	_ =	shalt  }
0x77: {  	_ =	shalt  }
0x78: {  	_ =	shalt  }
0x79: {  	_ =	shalt  }
0x7a: {  	_ =	shalt  }
0x7b: {  	_ =	shalt  }
0x7c: {  	_ =	shalt  }
0x7d: {  	_ =	shalt  }
0x7e: {  	_ =	shalt  }
0x7f: {  	_ =	shalt  }
0x80: {  	_ =	shalt  }
0x81: {  	_ =	shalt  }
0x82: {  	_ =	shalt  }
0x83: {  	_ =	shalt  }
0x84: {  	_ =	shalt  }
0x85: {  	_ =	shalt  }
0x86: {  	_ =	shalt  }
0x87: {  	_ =	shalt  }
.Lfunc_end0:
.L_simem_size_0:
called_computation.2_lowered:
.L_overlay_start_0:
0x88: {  	s2 =	sld [smem:$0x3FD9]  }
0x89: {  	s3 =	sld [smem:$0x3FFE];
	_ =	sdelay $0x1  }
0x8a: {  	s1 =	srdreg.scid  }
0x8b: {  	s0 =	sand.u32 $0x1, s1  }
0x8c: {  	s17 =	sshll.u32 s0, $0xA;
	s2 =	sadd.s32 s3, s2  }
0x8d: {  	s2 =	sadd.s32 s2, s17  }
0x8e: {  	[smem:$0x3FC5] =	sst s2  }
0x8f: {  	_ = 	snop  }
0x90: {  	s18 =	sld [smem:$0x3FC7];
	(tm) =	ssettm $0x1  }
0x91: {  	s19 =	sld [smem:$0x3FFB];
	_ =	sdelay $0x3  }
0x92: {  	_ =	strace s19  }
0x93: {  	s2 =	sld [smem:$0x3FFC];
	_ =	sdelay $0x3  }
0x94: {  	_ =	strace s2  }
0x95: {  	s2 =	sld [smem:$0x3FFD];
	_ =	sdelay $0x3  }
0x96: {  	_ =	strace s2  }
0x97: {  	_ =	strace $0x8FFFFFFF  }
0x98: {  	s20 =	sld [smem:$0x3FDB];
	_ =	sdelay $0x1  }
0x99: {  	s4 =	simm.s32 $_scs_section_size  }
0x9a: {  	s5 =	simm.s32 $_size__tile_overlayer_lowered;
	s6 =	simm.s32 $_tile_overlayer_lowered  }
0x9b: {  	s7 =	simm.s32 $0x1BFF;
	s21 =	sshll.u32 s6, $0x1;
	s4 =	sadd.s32 s4, s20  }
0x9c: {  	s22 =	simm.s32 $0x0;
	s5 =	sshll.u32 s5, $0x1;
	s6 =	sadd.s32 s21, s4  }
0x9d: {  	[timem:s22], [sflag:s7] =	dma.local [hbm:s6], s5  }
0x9e: {  	_ =	swait.ge [sflag:s7], s5  }
0x9f: {  	s5 =	ssub.s32 $0x0, s5;
	[sflag:s7] =	ssyncset.done $0x0  }
0xa0: {  	[sflag:s7] =	ssyncadd.s32 s5;
	_ =	sdelay $0x1  }
0xa1: {  	s23 =	simm.s32 $0x1B8B  }
0xa2: {  	_ =	swait.ge [sflag:s23], $0x1  }
0xa3: {  	[sflag:s23] =	ssyncset.done $0x0  }
0xa4: {  	[sflag:s23] =	ssyncadd.s32 $0xFFFFFFFF  }
0xa5: {  	s5 =	sld [smem:$0x0]  }
0xa6: {  	s6 =	sand.u32 $0xFFFFFFFE, s1  }
0xa7: {  	p0 =	sne.s32 s1, s6  }
0xa8: {  	s6 =	sshll.u32 @p0 s6, $0xE  }
0xa9: {  	s6 =	sadd.s32 @p0 $0x11B8D, s6;
	s7 =	sshll.u32 @p0 s5, $0x11  }
0xaa: {  	s6 =	sor.u32 @p0 s7, s6  }
0xab: {  	[sflag:s6] =	ssyncadd.remote.s32 @p0 $0x1;
	_ =	sdelay $0x1  }
0xac: {  	s6 =	simm.s32 @p0 $0x1B8D  }
0xad: {  	_ =	swait.eq @p0 [sflag:s6], $0x1  }
0xae: {  	[sflag:s6] =	ssyncadd.s32 @p0 $0xFFFFFFFF  }
0xaf: {  	s7 =	sshll.u32 @!p0 s1, $0xE  }
0xb0: {  	s7 =	sor.u32 @!p0 $0x4000, s7;
	s6 =	simm.s32 @!p0 $0x1B8D  }
0xb1: {  	s5 =	sshll.u32 @!p0 s5, $0x11;
	s7 =	sadd.s32 @!p0 $0x11B8D, s7;
	_ =	swait.eq @!p0 [sflag:s6], $0x1  }
0xb2: {  	s5 =	sor.u32 @!p0 s5, s7;
	[sflag:s6] =	ssyncadd.s32 @!p0 $0xFFFFFFFF  }
0xb3: {  	s25 =	simm.s32 $0x1B8E;
	s24 =	sld [smem:$0x3FFE];
	[sflag:s5] =	ssyncadd.remote.s32 @!p0 $0x1  }
0xb4: {  	s26 =	simm.s32 $execute0_lowered;
	[smem:$0x3FD2] =	sst s25  }
0xb5: {  	s6 =	sshll.u32 s26, $0x1;
	_ =	strace $0x8000004C;
	[dreg:$0x1] =	wrdreg $0xFFFFFFFF  }
0xb6: {  	s28 =	simm.s32 $_size_execute0_lowered;
	s4 =	sadd.s32 s4, s6;
	[dreg:$0x0] =	wrdreg $0x0  }
0xb7: {  	s6 =	sshll.u32 s28, $0x1;
	[dreg:$0x2] =	wrdreg s4  }
0xb8: {  	[dreg:$0x3] =	wrdreg s6  }
0xb9: {  	[dreg:$0x4] =	wrdreg $0xC0  }
0xba: {  	_ =	task [dreg:s22], $0x5FFFF  }
0xbb: {  	[dreg:$0x1] =	wrdreg $0xFFFFFFFF  }
0xbc: {  	[dreg:$0x0] =	wrdreg $0x60  }
0xbd: {  	[dreg:$0x2] =	wrdreg s18  }
0xbe: {  	[dreg:$0x3] =	wrdreg s24  }
0xbf: {  	[dreg:$0x4] =	wrdreg $0xA  }
0xc0: {  	_ =	task.clear_ibuf [dreg:s22], $0x5FFFF;
	_ =	strace $0x9000004C  }
0xc1: {  	s29 =	simm.s32 $0xA;
	_ =	strace $0x8000004E  }
0xc2: {  	_ =	swait.ge [sflag:s29], $0x1  }
0xc3: {  	[sflag:s29] =	ssyncadd.s32 $0xFFFFFFFF  }
0xc4: {  	_ =	strace $0x9000004E  }
0xc5: {  	_ =	sfence  }
0xc6: {  	s30 =	sld [smem:$0x0];
	_ =	sdelay $0x2  }
0xc7: {  	s31 =	sshll.u32 s1, $0xD;
	s1 =	sshrl.u32 s1, $0x2  }
0xc8: {  	s4 =	sand.u32 $0x4000, s31;
	s1 =	sadd.s32 s1, s30  }
0xc9: {  	s0 =	sor.u32 s4, s0;
	s1 =	sshll.u32 s1, $0x11  }
0xca: {  	s0 =	sor.u32 s1, s0  }
0xcb: {  	s0 =	sadd.s32 $0x8F2B, s0  }
0xcc: {  	[sflag:s0] =	ssyncadd.remote.s32 $0x1  }
0xcd: {  	_ =	sfence.sel $0xFFFF  }
0xce: {  	[dreg:$0x0] =	wrdreg $0xFFFFFFFF;
	(pc) =	sbr.abs _section_cstart, $3  }
0xcf: {  	[dreg:$0x1] =	wrdreg $0xFFFFFFFF  }
0xd0: {  	_ =	task.clear_ibuf [dreg:s22], $0x2FFFF;
	_ =	strace $0x9FFFFFFF  }
0xd1: {  	(tm) =	ssettm $0x7FFFFFFF  }
tec
execute0_lowered:
.L_overlay_start_1:
0x0: {  	(tag) =	ssettag $0x1  }
0x1: {  	s1 =	srdreg.scid;
	s2 =	rddreg [dreg:$0x0]  }
0x2: {  	s0 =	stileid.u32;
	s5 =	rddreg [dreg:$0x1];
	s6 =	simm.s32 $0x1  }
0x3: {  	s9 =	simm.s32 $0x1;
	s10 =	simm.s32 $0x3;
	s1 =	sshll.u32 s1, $0x7  }
0x4: {  	s13 =	simm.s32 $0x0;
	s3 =	sshll.u32 s0, $0x8;
	s4 =	sand.u32 $0x80, s1  }
0x5: {  	s12 =	simm.s32 $0x0;
	s1 =	rddreg [dreg:$0x2];
	s3 =	sor.u32 s3, s4  }
0x6: {  	_ =	strace $0x8000004D;
	s4 =	sadd.s32 $0x400, s5;
	s8 =	ssub.s32 $0x2000, s3  }
.Ltmp0:
0x7: {  	s5 =	sadd.s32 $0x800, s5;
	s7 =	sand.u32 $0xF80, s8;
	(pc) =	sbr.rel .LBB2_1-.Ltmp0, $4  }
0x8: {  	[sflag:s6] =	ssyncpa.u1 $0x0;
	s11 =	smov.u32 s3;
	p0 =	sne.s32 s7, $0x0  }
0x9: {  	s8 =	sshrl.u32 s8, $0xC;
	s7 =	simm.s32 $0x2;
	s9 =	simm.s32 @!p0 $0x0  }
0xa: {  	[sflag:s7] =	ssyncpa.u1 $0x0;
	p0 =	por $0x0, $0x0;
	s8 =	sadd.s32 s9, s8  }
0xb: {  	vm0 =	vmmov $0xffff;
	[sflag:s10] =	ssyncpa.u1 $0x0;
	s10 =	simm.s32 $0x0;
	s9 =	sadd.s32 $0x1, s8  }
.LBB2_4:
0xc: {  	v2 =	vnsel vm1, $0x0, v2  }
0xd: {  	vm1 =	vgt.s32 v0, $0x0;
	v2 =	vmin.u32 v2, $0x1FFF  }
0xe: {  	v0 =	vnsel vm1, $0x0, v0  }
0xf: {  	v0 =	vmin.u32 v0, $0x1FFF  }
0x10: {  	[tilespmem:s15], [sflag:$0x1] =	stream.indirect_vreg.gather [hbm4b:s2+s10], $0x1, v1, vm0, $0x4038;
	[tilespmem:$0x200] =	vst v63  }
0x11: {  	(ifvalue) =	ssetifvalue $0x7FFFFFFF  }
0x12: {  	[tilespmem:s16], [sflag:$0x1] =	stream.indirect_vreg.gather [hbm4b:s2+s10], $0x1, v2, vm0, $0x4038;
	[tilespmem:$0x200] =	vst v63  }
0x13: {  	s29 =	sadd.s32 $0x10, s16;
	(ifvalue) =	ssetifvalue $0x7FFFFFFF  }
0x14: {  	[tilespmem:s29], [sflag:$0x1] =	stream.indirect_vreg.gather [hbm4b:s2+s10], $0x1, v0, vm0, $0x4038;
	[tilespmem:$0x200] =	vst v63  }
0x15: {  	_ =	swait.ge [sflag:s6], $0x80  }
0x16: {  	s30 =	sshrl.u32 s13, $0x3;
	[sflag:s6] =	ssyncset.done $0x0  }
0x17: {  	s31 =	sand.u32 $0x7, s13;
	s15 =	sadd.s32 s5, s30;
	[sflag:s6] =	ssyncadd.s32 $0xFFFFFF80  }
0x18: {  	[hbm4b:s15+s31] =	stream.linear.scatter [tilespmem:s14], [sflag:$0x3], $0x80, $0x38;
	[tilespmem:$0x200] =	vst v63  }
.LBB2_5:
0x19: {  	s15 =	sadd.s32 $0x1000, s11  }
0x1a: {  	p2 =	sgt.s32 s15, $0x1FFF  }
0x1b: {  	s15 =	smov.u32 @p2 s3;
	p2 =	sne.s32 s12, s9  }
.Ltmp1:
0x1c: {  	p1 =	slt.u32 s12, $0x2;
	(pc) =	sbr.rel @!p2 .LBB2_6-.Ltmp1, $4  }
0x1d: {  	s14 =	simm.s32 @!p1 $0x3  }
0x1e: {  	s16 =	sadd.s32 $0x1, s12;
	_ =	swait.ge @!p1 [sflag:s14], $0x80  }
0x1f: {  	s13 =	smov.u32 s11;
	p0 =	por !p0, !p0;
	[sflag:s14] =	ssyncset.done @!p1 $0x0  }
0x20: {  	s12 =	smov.u32 s16;
	s11 =	smov.u32 s15;
	[sflag:s14] =	ssyncadd.s32 @!p1 $0xFFFFFF80  }
.LBB2_1:
0x21: {  	p1 =	sge.u32 s12, s8  }
0x22: {  	s14 =	sxor.u32 @!p1 $0xFFFFFFFF, s12  }
0x23: {  	s31 =	sadd.s32 $0xFFFFFFFF, s12;
	s15 =	sshrl.u32 @!p1 s11, $0x3;
	s14 =	sshll.u32 @!p1 s14, $0x7  }
0x24: {  	s16 =	sand.u32 @!p1 $0x7, s11;
	s15 =	sadd.s32 @!p1 s4, s15;
	s14 =	sand.u32 @!p1 $0x80, s14  }
0x25: {  	[tilespmem:s14], [sflag:$0x2] =	stream.linear.gather @!p1 [hbm4b:s15+s16], $0x80, $0x38;
	[tilespmem:$0x200] =	vst v63  }
0x26: {  	p1 =	sge.u32 s31, s8  }
.Ltmp2:
0x27: {  	_ = 	snop;
	(pc) =	sbr.rel @p1 .LBB2_5-.Ltmp2, $1  }
0x28: {  	_ =	sdelay $0x3  }
0x29: {  	s14 =	simm.s32 $0x1  }
0x2a: {  	_ =	swait.ge [sflag:s7], $0x80;
	s14 =	simm.s32 @!p0 $0x0  }
0x2b: {  	[sflag:s7] =	ssyncset.done $0x0;
	s14 =	sshll.u32 s14, $0x7  }
0x2c: {  	[sflag:s7] =	ssyncadd.s32 $0xFFFFFF80;
	(ifvalue) =	ssetifvalue $0x7FFFFFFF;
	v0 =	vld.msk [tilespmem:s14+$0x0 ss:$0x1], $0xffff;
	_ =	sdelay $0x4  }
0x2d: {  	s15 =	sadd.s32 $0x10, s14;
	vm1 =	vgt.s32 v0, $0x0  }
0x2e: {  	v2 =	vld.msk [tilespmem:s15+$0x0 ss:$0x1], $0xffff;
	v1 =	vnsel vm1, $0x0, v0  }
0x2f: {  	v1 =	vmin.u32 v1, $0x1FFF;
	_ =	sdelay $0x1  }
0x30: {  	s16 =	sshll.u32 s12, $0x7;
	s18 =	simm.s32 $0x20  }
0x31: {  	s16 =	sand.u32 $0x80, s16;
	s17 =	sadd.s32 $0x10, s15;
	s15 =	sor.u32 $0x100, s14  }
0x32: {  	s14 =	sor.u32 $0x100, s16;
	s16 =	sadd.s32 $0x10, s15;
	v0 =	vld.msk [tilespmem:s17+$0x0 ss:$0x1], $0xffff;
	vm1 =	vgt.s32 v2, $0x0;
	(ifvalue) =	ssetifvalue $0x7FFFFFFF  }
.LBB2_3:
0x33: {  	[tilespmem:s15], [sflag:$0x1] =	stream.indirect_vreg.gather [hbm4b:s2+s10], $0x1, v1, vm0, $0x4038;
	[tilespmem:$0x200] =	vst v63  }
0x34: {  	s18 =	sadd.s32 $0x10, s18  }
0x35: {  	v2 =	vnsel vm1, $0x0, v2;
	p1 =	slt.u32 s18, $0x70  }
.Ltmp3:
0x36: {  	s15 =	smov.u32 s16;
	v1 =	vmin.u32 v2, $0x1FFF;
	(pc) =	sbr.rel @p1 .LBB2_3-.Ltmp3, $3  }
0x37: {  	_ =	sdelay $0x1  }
0x38: {  	s17 =	sadd.s32 $0x10, s17  }
0x39: {  	vm1 =	vgt.s32 v0, $0x0;
	s16 =	sadd.s32 $0x10, s16;
	v2 =	vmov v0;
	(ifvalue) =	ssetifvalue $0x7FFFFFFF;
	v0 =	vld.msk [tilespmem:s17+$0x0 ss:$0x1], $0xffff  }
.Ltmp4:
0x3a: {  	_ = 	snop;
	(pc) =	sbr.rel .LBB2_4-.Ltmp4, $1  }
0x3b: {  	_ =	sdelay $0x3  }
.LBB2_6:
0x3c: {  	_ =	sfence.sel $0x180000  }
0x3d: {  	s2 =	simm.s32 $0x2;
	[bflag:$0x0] =	sbarrier.arrive $0xFFFF  }
0x3e: {  	s30 =	simm.s32 $0x3;
	[sflag:s2] =	ssyncpa.u1 $0x1  }
0x3f: {  	s31 =	simm.s32 $0x1;
	[sflag:s30] =	ssyncpa.u1 $0x1  }
0x40: {  	[sflag:s31] =	ssyncpa.u1 $0x1  }
0x41: {  	p0 =	sne.s32 s0, $0x0;
	_ =	strace $0x9000004D  }
0x42: {  	s0 =	sadd.s32 @!p0 $0x100000, s1;
	[bflag:$0x2] =	sbarrier.arrive $0xFFFF  }
0x43: {  	[sflag:s0] =	ssyncadd.tile.s32 @!p0 $0x1;
	_ =	shalt  }
.Lfunc_end2:
_tile_overlayer_lowered:
.L_overlay_start_2:
0x44: {  	(tag) =	ssettag $0x2  }
0x45: {  	s0 =	rddreg [dreg:$0x0];
	s2 =	stileid.u32  }
0x46: {  	s1 =	rddreg [dreg:$0x1];
	p0 =	sne.s32 s2, $0x0  }
0x47: {  	s3 =	rddreg [dreg:$0x2];
	[bflag:$0x3] =	sbarrier.arrive $0xFFFF;
	s2 =	simm.s32 @!p0 $0x1C01  }
0x48: {  	[timem:s3], [sflag:s2] =	dma.local @!p0 [hbm:s0], s1  }
0x49: {  	s0 =	simm.s32 @!p0 $0x1  }
0x4a: {  	_ =	swait.ge @!p0 [sflag:s0], s1  }
0x4b: {  	s1 =	ssub.s32 @!p0 $0x0, s1;
	[sflag:s0] =	ssyncset.done @!p0 $0x0  }
0x4c: {  	[sflag:s0] =	ssyncadd.s32 @!p0 s1  }
0x4d: {  	[bflag:$0x3] =	sbarrier.arrive $0xFFFF  }
0x4e: {  	_ =	shalt  }

// kernel: gather_offload_async_start.3
scs
__scs_entry_jumppad:
0x0: {  	(pc) =	sbr.rel $0x88, $3  }
0x1: {  	(tag) =	ssettag $0x0;
	lr =	simm.s32 $0x1  }
0x2: {  	[smem:$0x3F9E] =	sst lr;
	_ =	strace $0xD0000000  }
0x3: {  	_ = 	snop  }
0x4: {  	_ = 	snop  }
0x5: {  	_ = 	snop  }
0x6: {  	_ = 	snop  }
0x7: {  	_ = 	snop  }
__scs_overlays_trampoline_lowered:
0x8: {  	[smem:$0x3FAD] =	sst s0  }
0x9: {  	[smem:$0x3FAE] =	sst s1  }
0xa: {  	[smem:$0x3FAF] =	sst s2  }
0xb: {  	[smem:$0x3FB0] =	sst s3  }
0xc: {  	[smem:$0x3FB1] =	sst s4  }
0xd: {  	[smem:$0x3FB2] =	sst s5  }
0xe: {  	[smem:$0x3FB3] =	sst s6  }
0xf: {  	[smem:$0x3FB4] =	sst s7  }
0x10: {  	[smem:$0x3FB5] =	sst s8  }
0x11: {  	[smem:$0x3FB6] =	sst s9;
	s0 =	simm.s32 @!p0 $0x0  }
0x12: {  	s1 =	sld [smem:$0x3F9C];
	s0 =	simm.s32 @p0 $0x1  }
0x13: {  	[smem:$0x3FB7] =	sst s0;
	s0 =	simm.s32 @!p1 $0x0  }
0x14: {  	s2 =	sld [smem:$0x3F9B];
	s0 =	simm.s32 @p1 $0x1  }
0x15: {  	[smem:$0x3FB8] =	sst s0;
	s0 =	simm.s32 @!p2 $0x0  }
0x16: {  	s3 =	sld [smem:$0x3FDB];
	s0 =	simm.s32 @p2 $0x1  }
0x17: {  	s4 =	simm.s32 $0x1BF5;
	[smem:$0x3FBA] =	sst s0  }
0x18: {  	s0 =	sld [smem:$0x3F9D];
	_ =	swait.ge [sflag:s4], $0x0  }
0x19: {  	s7 =	sld [smem:$0x3F9E]  }
0x1a: {  	s8 =	sadd.s32 $0xFFFFE003, lr  }
0x1b: {  	s9 =	sadd.s32 $0xFFFFFEF7, lr;
	s5 =	simm.s32 $0xFFFFFFFF;
	p2 =	slt.u32 s8, $0xFFFFF086  }
0x1c: {  	p1 =	slt.u32 s9, $0xF7A;
	s5 =	simm.s32 @!p2 $0x0  }
0x1d: {  	s5 =	simm.s32 @p1 $0x1;
	p0 =	seq.s32 s7, s2  }
0x1e: {  	s7 =	smul.u32 @!p0 $0xF7A, s2;
	p2 =	seq.s32 @!p0 s5, $0x0  }
0x1f: {  	s9 =	smul.u32 $0xF7A, s1;
	s8 =	simm.s32 @!p0 $0x1BF5;
	p2 =	por !p2, p0  }
0x20: {  	[sflag:s8] =	ssyncset.s32 @!p0 $0xFFFFF086;
	s6 =	sadd.s32 @!p0 s3, s7;
	s7 =	simm.s32 @!p0 $0x108  }
0x21: {  	s3 =	sadd.s32 s3, s9;
	s6 =	sadd.s32 @!p0 $0x88, s6;
	s7 =	simm.s32 @p2 $0x1082  }
0x22: {  	[simem:s7], [sflag:s8] =	dma.local @!p0 [hbm:s6], $0xF7A  }
0x23: {  	s9 =	sor.u32 $0xD0000000, s2;
	s6 =	simm.s32 $0x108;
	_ =	swait.ge @!p0 [sflag:s8], $0x0  }
0x24: {  	s3 =	sadd.s32 $0x88, s3;
	s6 =	simm.s32 @!p1 $0x1082;
	[sflag:s4] =	ssyncset.s32 $0xFFFFF086  }
0x25: {  	[simem:s6], [sflag:s4] =	dma.local [hbm:s3], $0xF7A  }
0x26: {  	[smem:$0x3F9E] =	sst s1;
	(tag) =	ssettag s2;
	_ =	strace s9  }
0x27: {  	s1 =	sld [smem:$0x3FAE]  }
0x28: {  	s2 =	sld [smem:$0x3FAF]  }
0x29: {  	s4 =	sld [smem:$0x3FB1]  }
0x2a: {  	p0 =	seq.s32 s5, $0x0;
	s5 =	sld [smem:$0x3FB2]  }
0x2b: {  	s6 =	sld [smem:$0x3FB3]  }
0x2c: {  	s7 =	sld [smem:$0x3FB4]  }
0x2d: {  	s3 =	simm.s32 $0x108;
	s8 =	sld [smem:$0x3FB5]  }
0x2e: {  	s3 =	simm.s32 @!p0 $0x1082;
	s9 =	sld [smem:$0x3FB6]  }
0x2f: {  	lr =	sadd.s32 s0, s3;
	s0 =	sld [smem:$0x3FAD]  }
0x30: {  	s3 =	sld [smem:$0x3FB0]  }
0x31: {  	[smem:$0x3FB9] =	sst s10  }
0x32: {  	s10 =	sld [smem:$0x3FB7];
	_ =	sdelay $0x3  }
0x33: {  	p0 =	seq.s32 s10, $0x1;
	s10 =	sld [smem:$0x3FB9];
	_ =	sdelay $0x3  }
0x34: {  	[smem:$0x3FB9] =	sst s10  }
0x35: {  	s10 =	sld [smem:$0x3FB8];
	_ =	sdelay $0x3  }
0x36: {  	p1 =	seq.s32 s10, $0x1;
	s10 =	sld [smem:$0x3FB9];
	_ =	sdelay $0x3  }
0x37: {  	[smem:$0x3FB9] =	sst s10  }
0x38: {  	s10 =	sld [smem:$0x3FBA]  }
0x39: {  	_ = 	snop;
	(pc) =	sbr.ind lr, $3  }
0x3a: {  	_ = 	snop  }
0x3b: {  	_ = 	snop  }
0x3c: {  	p2 =	seq.s32 s10, $0x1;
	s10 =	sld [smem:$0x3FB9]  }
0x3d: {  	_ =	shalt  }
0x3e: {  	_ =	shalt  }
0x3f: {  	_ =	shalt  }
0x40: {  	_ =	shalt  }
0x41: {  	_ =	shalt  }
0x42: {  	_ =	shalt  }
0x43: {  	_ =	shalt  }
0x44: {  	_ =	shalt  }
0x45: {  	_ =	shalt  }
0x46: {  	_ =	shalt  }
0x47: {  	_ =	shalt  }
0x48: {  	_ =	shalt  }
0x49: {  	_ =	shalt  }
0x4a: {  	_ =	shalt  }
0x4b: {  	_ =	shalt  }
0x4c: {  	_ =	shalt  }
0x4d: {  	_ =	shalt  }
0x4e: {  	_ =	shalt  }
0x4f: {  	_ =	shalt  }
0x50: {  	_ =	shalt  }
0x51: {  	_ =	shalt  }
0x52: {  	_ =	shalt  }
0x53: {  	_ =	shalt  }
0x54: {  	_ =	shalt  }
0x55: {  	_ =	shalt  }
0x56: {  	_ =	shalt  }
0x57: {  	_ =	shalt  }
0x58: {  	_ =	shalt  }
0x59: {  	_ =	shalt  }
0x5a: {  	_ =	shalt  }
0x5b: {  	_ =	shalt  }
0x5c: {  	_ =	shalt  }
0x5d: {  	_ =	shalt  }
0x5e: {  	_ =	shalt  }
0x5f: {  	_ =	shalt  }
0x60: {  	_ =	shalt  }
0x61: {  	_ =	shalt  }
0x62: {  	_ =	shalt  }
0x63: {  	_ =	shalt  }
0x64: {  	_ =	shalt  }
0x65: {  	_ =	shalt  }
0x66: {  	_ =	shalt  }
0x67: {  	_ =	shalt  }
0x68: {  	_ =	shalt  }
0x69: {  	_ =	shalt  }
0x6a: {  	_ =	shalt  }
0x6b: {  	_ =	shalt  }
0x6c: {  	_ =	shalt  }
0x6d: {  	_ =	shalt  }
0x6e: {  	_ =	shalt  }
0x6f: {  	_ =	shalt  }
0x70: {  	_ =	shalt  }
0x71: {  	_ =	shalt  }
0x72: {  	_ =	shalt  }
0x73: {  	_ =	shalt  }
0x74: {  	_ =	shalt  }
0x75: {  	_ =	shalt  }
0x76: {  	_ =	shalt  }
0x77: {  	_ =	shalt  }
0x78: {  	_ =	shalt  }
0x79: {  	_ =	shalt  }
0x7a: {  	_ =	shalt  }
0x7b: {  	_ =	shalt  }
0x7c: {  	_ =	shalt  }
0x7d: {  	_ =	shalt  }
0x7e: {  	_ =	shalt  }
0x7f: {  	_ =	shalt  }
0x80: {  	_ =	shalt  }
0x81: {  	_ =	shalt  }
0x82: {  	_ =	shalt  }
0x83: {  	_ =	shalt  }
0x84: {  	_ =	shalt  }
0x85: {  	_ =	shalt  }
0x86: {  	_ =	shalt  }
0x87: {  	_ =	shalt  }
.Lfunc_end0:
.L_simem_size_0:
called_computation.3_lowered:
.L_overlay_start_0:
0x88: {  	s2 =	sld [smem:$0x3FD9]  }
0x89: {  	s3 =	sld [smem:$0x3FFE];
	_ =	sdelay $0x1  }
0x8a: {  	s1 =	srdreg.scid  }
0x8b: {  	s0 =	sand.u32 $0x1, s1  }
0x8c: {  	s17 =	sshll.u32 s0, $0xA;
	s2 =	sadd.s32 s3, s2  }
0x8d: {  	s2 =	sadd.s32 s2, s17  }
0x8e: {  	[smem:$0x3FC5] =	sst s2  }
0x8f: {  	_ = 	snop  }
0x90: {  	s18 =	sld [smem:$0x3FC8];
	(tm) =	ssettm $0x1  }
0x91: {  	s19 =	sld [smem:$0x3FFB];
	_ =	sdelay $0x3  }
0x92: {  	_ =	strace s19  }
0x93: {  	s2 =	sld [smem:$0x3FFC];
	_ =	sdelay $0x3  }
0x94: {  	_ =	strace s2  }
0x95: {  	s2 =	sld [smem:$0x3FFD];
	_ =	sdelay $0x3  }
0x96: {  	_ =	strace s2  }
0x97: {  	_ =	strace $0x8FFFFFFF  }
0x98: {  	s20 =	sld [smem:$0x3FDB];
	_ =	sdelay $0x1  }
0x99: {  	s4 =	simm.s32 $_scs_section_size  }
0x9a: {  	s5 =	simm.s32 $_size__tile_overlayer_lowered;
	s6 =	simm.s32 $_tile_overlayer_lowered  }
0x9b: {  	s7 =	simm.s32 $0x1BFF;
	s21 =	sshll.u32 s6, $0x1;
	s4 =	sadd.s32 s4, s20  }
0x9c: {  	s22 =	simm.s32 $0x0;
	s5 =	sshll.u32 s5, $0x1;
	s6 =	sadd.s32 s21, s4  }
0x9d: {  	[timem:s22], [sflag:s7] =	dma.local [hbm:s6], s5  }
0x9e: {  	_ =	swait.ge [sflag:s7], s5  }
0x9f: {  	s5 =	ssub.s32 $0x0, s5;
	[sflag:s7] =	ssyncset.done $0x0  }
0xa0: {  	[sflag:s7] =	ssyncadd.s32 s5;
	_ =	sdelay $0x1  }
0xa1: {  	s23 =	simm.s32 $0x1B8B  }
0xa2: {  	_ =	swait.ge [sflag:s23], $0x1  }
0xa3: {  	[sflag:s23] =	ssyncset.done $0x0  }
0xa4: {  	[sflag:s23] =	ssyncadd.s32 $0xFFFFFFFF  }
0xa5: {  	s5 =	sld [smem:$0x0]  }
0xa6: {  	s6 =	sand.u32 $0xFFFFFFFE, s1  }
0xa7: {  	p0 =	sne.s32 s1, s6  }
0xa8: {  	s6 =	sshll.u32 @p0 s6, $0xE  }
0xa9: {  	s6 =	sadd.s32 @p0 $0x11B8D, s6;
	s7 =	sshll.u32 @p0 s5, $0x11  }
0xaa: {  	s6 =	sor.u32 @p0 s7, s6  }
0xab: {  	[sflag:s6] =	ssyncadd.remote.s32 @p0 $0x1;
	_ =	sdelay $0x1  }
0xac: {  	s6 =	simm.s32 @p0 $0x1B8D  }
0xad: {  	_ =	swait.eq @p0 [sflag:s6], $0x1  }
0xae: {  	[sflag:s6] =	ssyncadd.s32 @p0 $0xFFFFFFFF  }
0xaf: {  	s7 =	sshll.u32 @!p0 s1, $0xE  }
0xb0: {  	s7 =	sor.u32 @!p0 $0x4000, s7;
	s6 =	simm.s32 @!p0 $0x1B8D  }
0xb1: {  	s5 =	sshll.u32 @!p0 s5, $0x11;
	s7 =	sadd.s32 @!p0 $0x11B8D, s7;
	_ =	swait.eq @!p0 [sflag:s6], $0x1  }
0xb2: {  	s5 =	sor.u32 @!p0 s5, s7;
	[sflag:s6] =	ssyncadd.s32 @!p0 $0xFFFFFFFF  }
0xb3: {  	s25 =	simm.s32 $0x1B8E;
	s24 =	sld [smem:$0x3FFE];
	[sflag:s5] =	ssyncadd.remote.s32 @!p0 $0x1  }
0xb4: {  	s26 =	simm.s32 $execute0_lowered;
	[smem:$0x3FD2] =	sst s25  }
0xb5: {  	s6 =	sshll.u32 s26, $0x1;
	_ =	strace $0x80000052;
	[dreg:$0x1] =	wrdreg $0xFFFFFFFF  }
0xb6: {  	s28 =	simm.s32 $_size_execute0_lowered;
	s4 =	sadd.s32 s4, s6;
	[dreg:$0x0] =	wrdreg $0x0  }
0xb7: {  	s6 =	sshll.u32 s28, $0x1;
	[dreg:$0x2] =	wrdreg s4  }
0xb8: {  	[dreg:$0x3] =	wrdreg s6  }
0xb9: {  	[dreg:$0x4] =	wrdreg $0xC0  }
0xba: {  	_ =	task [dreg:s22], $0x5FFFF  }
0xbb: {  	[dreg:$0x1] =	wrdreg $0xFFFFFFFF  }
0xbc: {  	[dreg:$0x0] =	wrdreg $0x60  }
0xbd: {  	[dreg:$0x2] =	wrdreg s18  }
0xbe: {  	[dreg:$0x3] =	wrdreg s24  }
0xbf: {  	[dreg:$0x4] =	wrdreg $0xA  }
0xc0: {  	_ =	task.clear_ibuf [dreg:s22], $0x5FFFF;
	_ =	strace $0x90000052  }
0xc1: {  	s29 =	simm.s32 $0xA;
	_ =	strace $0x80000054  }
0xc2: {  	_ =	swait.ge [sflag:s29], $0x1  }
0xc3: {  	[sflag:s29] =	ssyncadd.s32 $0xFFFFFFFF  }
0xc4: {  	_ =	strace $0x90000054  }
0xc5: {  	_ =	sfence  }
0xc6: {  	s30 =	sld [smem:$0x0];
	_ =	sdelay $0x2  }
0xc7: {  	s31 =	sshll.u32 s1, $0xD;
	s1 =	sshrl.u32 s1, $0x2  }
0xc8: {  	s4 =	sand.u32 $0x4000, s31;
	s1 =	sadd.s32 s1, s30  }
0xc9: {  	s0 =	sor.u32 s4, s0;
	s1 =	sshll.u32 s1, $0x11  }
0xca: {  	s0 =	sor.u32 s1, s0  }
0xcb: {  	s0 =	sadd.s32 $0x8F2B, s0  }
0xcc: {  	[sflag:s0] =	ssyncadd.remote.s32 $0x1  }
0xcd: {  	_ =	sfence.sel $0xFFFF  }
0xce: {  	[dreg:$0x0] =	wrdreg $0xFFFFFFFF;
	(pc) =	sbr.abs _section_cstart, $3  }
0xcf: {  	[dreg:$0x1] =	wrdreg $0xFFFFFFFF  }
0xd0: {  	_ =	task.clear_ibuf [dreg:s22], $0x2FFFF;
	_ =	strace $0x9FFFFFFF  }
0xd1: {  	(tm) =	ssettm $0x7FFFFFFF  }
tec
execute0_lowered:
.L_overlay_start_1:
0x0: {  	(tag) =	ssettag $0x1  }
0x1: {  	s1 =	srdreg.scid;
	s2 =	rddreg [dreg:$0x0]  }
0x2: {  	s0 =	stileid.u32;
	s3 =	rddreg [dreg:$0x1]  }
0x3: {  	s6 =	simm.s32 $0x1;
	s9 =	simm.s32 $0x1;
	s1 =	sshll.u32 s1, $0x7  }
0x4: {  	s10 =	simm.s32 $0x3;
	s4 =	sshll.u32 s0, $0x8;
	s5 =	sand.u32 $0x80, s1  }
0x5: {  	s13 =	simm.s32 $0x0;
	s12 =	simm.s32 $0x0;
	s4 =	sor.u32 s4, s5  }
0x6: {  	s1 =	rddreg [dreg:$0x2];
	_ =	strace $0x80000053;
	s8 =	ssub.s32 $0x2000, s4  }
.Ltmp0:
0x7: {  	s5 =	sadd.s32 $0x400, s3;
	s7 =	sand.u32 $0xF80, s8;
	(pc) =	sbr.rel .LBB2_1-.Ltmp0, $4  }
0x8: {  	[sflag:s6] =	ssyncpa.u1 $0x0;
	s11 =	smov.u32 s4;
	p0 =	sne.s32 s7, $0x0  }
0x9: {  	s8 =	sshrl.u32 s8, $0xC;
	s7 =	simm.s32 $0x2;
	s9 =	simm.s32 @!p0 $0x0  }
0xa: {  	[sflag:s7] =	ssyncpa.u1 $0x0;
	p0 =	por $0x0, $0x0;
	s8 =	sadd.s32 s9, s8  }
0xb: {  	vm0 =	vmmov $0xffff;
	[sflag:s10] =	ssyncpa.u1 $0x0;
	s10 =	simm.s32 $0x0;
	s9 =	sadd.s32 $0x1, s8  }
.LBB2_4:
0xc: {  	v2 =	vnsel vm1, $0x0, v2  }
0xd: {  	vm1 =	vgt.s32 v0, $0x0;
	v2 =	vmin.u32 v2, $0x1FFF  }
0xe: {  	v0 =	vnsel vm1, $0x0, v0  }
0xf: {  	v0 =	vmin.u32 v0, $0x1FFF  }
0x10: {  	[tilespmem:s15], [sflag:$0x1] =	stream.indirect_vreg.gather [hbm4b:s2+s10], $0x1, v1, vm0, $0x4038;
	[tilespmem:$0x200] =	vst v63  }
0x11: {  	(ifvalue) =	ssetifvalue $0x7FFFFFFF  }
0x12: {  	[tilespmem:s16], [sflag:$0x1] =	stream.indirect_vreg.gather [hbm4b:s2+s10], $0x1, v2, vm0, $0x4038;
	[tilespmem:$0x200] =	vst v63  }
0x13: {  	s29 =	sadd.s32 $0x10, s16;
	(ifvalue) =	ssetifvalue $0x7FFFFFFF  }
0x14: {  	[tilespmem:s29], [sflag:$0x1] =	stream.indirect_vreg.gather [hbm4b:s2+s10], $0x1, v0, vm0, $0x4038;
	[tilespmem:$0x200] =	vst v63  }
0x15: {  	_ =	swait.ge [sflag:s6], $0x80  }
0x16: {  	s30 =	sshrl.u32 s13, $0x3;
	[sflag:s6] =	ssyncset.done $0x0  }
0x17: {  	s31 =	sand.u32 $0x7, s13;
	s15 =	sadd.s32 s5, s30;
	[sflag:s6] =	ssyncadd.s32 $0xFFFFFF80  }
0x18: {  	[hbm4b:s15+s31] =	stream.linear.scatter [tilespmem:s14], [sflag:$0x3], $0x80, $0x38;
	[tilespmem:$0x200] =	vst v63  }
.LBB2_5:
0x19: {  	s15 =	sadd.s32 $0x1000, s11  }
0x1a: {  	p2 =	sgt.s32 s15, $0x1FFF  }
0x1b: {  	s15 =	smov.u32 @p2 s4;
	p2 =	sne.s32 s12, s9  }
.Ltmp1:
0x1c: {  	p1 =	slt.u32 s12, $0x2;
	(pc) =	sbr.rel @!p2 .LBB2_6-.Ltmp1, $4  }
0x1d: {  	s14 =	simm.s32 @!p1 $0x3  }
0x1e: {  	s16 =	sadd.s32 $0x1, s12;
	_ =	swait.ge @!p1 [sflag:s14], $0x80  }
0x1f: {  	s13 =	smov.u32 s11;
	p0 =	por !p0, !p0;
	[sflag:s14] =	ssyncset.done @!p1 $0x0  }
0x20: {  	s12 =	smov.u32 s16;
	s11 =	smov.u32 s15;
	[sflag:s14] =	ssyncadd.s32 @!p1 $0xFFFFFF80  }
.LBB2_1:
0x21: {  	p1 =	sge.u32 s12, s8  }
0x22: {  	s14 =	sxor.u32 @!p1 $0xFFFFFFFF, s12  }
0x23: {  	s31 =	sadd.s32 $0xFFFFFFFF, s12;
	s15 =	sshrl.u32 @!p1 s11, $0x3;
	s14 =	sshll.u32 @!p1 s14, $0x7  }
0x24: {  	s16 =	sand.u32 @!p1 $0x7, s11;
	s15 =	sadd.s32 @!p1 s3, s15;
	s14 =	sand.u32 @!p1 $0x80, s14  }
0x25: {  	[tilespmem:s14], [sflag:$0x2] =	stream.linear.gather @!p1 [hbm4b:s15+s16], $0x80, $0x38;
	[tilespmem:$0x200] =	vst v63  }
0x26: {  	p1 =	sge.u32 s31, s8  }
.Ltmp2:
0x27: {  	_ = 	snop;
	(pc) =	sbr.rel @p1 .LBB2_5-.Ltmp2, $1  }
0x28: {  	_ =	sdelay $0x3  }
0x29: {  	s14 =	simm.s32 $0x1  }
0x2a: {  	_ =	swait.ge [sflag:s7], $0x80;
	s14 =	simm.s32 @!p0 $0x0  }
0x2b: {  	[sflag:s7] =	ssyncset.done $0x0;
	s14 =	sshll.u32 s14, $0x7  }
0x2c: {  	[sflag:s7] =	ssyncadd.s32 $0xFFFFFF80;
	(ifvalue) =	ssetifvalue $0x7FFFFFFF;
	v0 =	vld.msk [tilespmem:s14+$0x0 ss:$0x1], $0xffff;
	_ =	sdelay $0x4  }
0x2d: {  	s15 =	sadd.s32 $0x10, s14;
	vm1 =	vgt.s32 v0, $0x0  }
0x2e: {  	v2 =	vld.msk [tilespmem:s15+$0x0 ss:$0x1], $0xffff;
	v1 =	vnsel vm1, $0x0, v0  }
0x2f: {  	v1 =	vmin.u32 v1, $0x1FFF;
	_ =	sdelay $0x1  }
0x30: {  	s16 =	sshll.u32 s12, $0x7;
	s18 =	simm.s32 $0x20  }
0x31: {  	s16 =	sand.u32 $0x80, s16;
	s17 =	sadd.s32 $0x10, s15;
	s15 =	sor.u32 $0x100, s14  }
0x32: {  	s14 =	sor.u32 $0x100, s16;
	s16 =	sadd.s32 $0x10, s15;
	v0 =	vld.msk [tilespmem:s17+$0x0 ss:$0x1], $0xffff;
	vm1 =	vgt.s32 v2, $0x0;
	(ifvalue) =	ssetifvalue $0x7FFFFFFF  }
.LBB2_3:
0x33: {  	[tilespmem:s15], [sflag:$0x1] =	stream.indirect_vreg.gather [hbm4b:s2+s10], $0x1, v1, vm0, $0x4038;
	[tilespmem:$0x200] =	vst v63  }
0x34: {  	s18 =	sadd.s32 $0x10, s18  }
0x35: {  	v2 =	vnsel vm1, $0x0, v2;
	p1 =	slt.u32 s18, $0x70  }
.Ltmp3:
0x36: {  	s15 =	smov.u32 s16;
	v1 =	vmin.u32 v2, $0x1FFF;
	(pc) =	sbr.rel @p1 .LBB2_3-.Ltmp3, $3  }
0x37: {  	_ =	sdelay $0x1  }
0x38: {  	s17 =	sadd.s32 $0x10, s17  }
0x39: {  	vm1 =	vgt.s32 v0, $0x0;
	s16 =	sadd.s32 $0x10, s16;
	v2 =	vmov v0;
	(ifvalue) =	ssetifvalue $0x7FFFFFFF;
	v0 =	vld.msk [tilespmem:s17+$0x0 ss:$0x1], $0xffff  }
.Ltmp4:
0x3a: {  	_ = 	snop;
	(pc) =	sbr.rel .LBB2_4-.Ltmp4, $1  }
0x3b: {  	_ =	sdelay $0x3  }
.LBB2_6:
0x3c: {  	_ =	sfence.sel $0x180000  }
0x3d: {  	s2 =	simm.s32 $0x2;
	[bflag:$0x0] =	sbarrier.arrive $0xFFFF  }
0x3e: {  	s30 =	simm.s32 $0x3;
	[sflag:s2] =	ssyncpa.u1 $0x1  }
0x3f: {  	s31 =	simm.s32 $0x1;
	[sflag:s30] =	ssyncpa.u1 $0x1  }
0x40: {  	[sflag:s31] =	ssyncpa.u1 $0x1  }
0x41: {  	p0 =	sne.s32 s0, $0x0;
	_ =	strace $0x90000053  }
0x42: {  	s0 =	sadd.s32 @!p0 $0x100000, s1;
	[bflag:$0x2] =	sbarrier.arrive $0xFFFF  }
0x43: {  	[sflag:s0] =	ssyncadd.tile.s32 @!p0 $0x1;
	_ =	shalt  }
.Lfunc_end2:
_tile_overlayer_lowered:
.L_overlay_start_2:
0x44: {  	(tag) =	ssettag $0x2  }
0x45: {  	s0 =	rddreg [dreg:$0x0];
	s2 =	stileid.u32  }
0x46: {  	s1 =	rddreg [dreg:$0x1];
	p0 =	sne.s32 s2, $0x0  }
0x47: {  	s3 =	rddreg [dreg:$0x2];
	[bflag:$0x3] =	sbarrier.arrive $0xFFFF;
	s2 =	simm.s32 @!p0 $0x1C01  }
0x48: {  	[timem:s3], [sflag:s2] =	dma.local @!p0 [hbm:s0], s1  }
0x49: {  	s0 =	simm.s32 @!p0 $0x1  }
0x4a: {  	_ =	swait.ge @!p0 [sflag:s0], s1  }
0x4b: {  	s1 =	ssub.s32 @!p0 $0x0, s1;
	[sflag:s0] =	ssyncset.done @!p0 $0x0  }
0x4c: {  	[sflag:s0] =	ssyncadd.s32 @!p0 s1  }
0x4d: {  	[bflag:$0x3] =	sbarrier.arrive $0xFFFF  }
0x4e: {  	_ =	shalt  }

// kernel: gather_offload_async_start.4
scs
__scs_entry_jumppad:
0x0: {  	(pc) =	sbr.rel $0x88, $3  }
0x1: {  	(tag) =	ssettag $0x0;
	lr =	simm.s32 $0x1  }
0x2: {  	[smem:$0x3F9E] =	sst lr;
	_ =	strace $0xD0000000  }
0x3: {  	_ = 	snop  }
0x4: {  	_ = 	snop  }
0x5: {  	_ = 	snop  }
0x6: {  	_ = 	snop  }
0x7: {  	_ = 	snop  }
__scs_overlays_trampoline_lowered:
0x8: {  	[smem:$0x3FAD] =	sst s0  }
0x9: {  	[smem:$0x3FAE] =	sst s1  }
0xa: {  	[smem:$0x3FAF] =	sst s2  }
0xb: {  	[smem:$0x3FB0] =	sst s3  }
0xc: {  	[smem:$0x3FB1] =	sst s4  }
0xd: {  	[smem:$0x3FB2] =	sst s5  }
0xe: {  	[smem:$0x3FB3] =	sst s6  }
0xf: {  	[smem:$0x3FB4] =	sst s7  }
0x10: {  	[smem:$0x3FB5] =	sst s8  }
0x11: {  	[smem:$0x3FB6] =	sst s9;
	s0 =	simm.s32 @!p0 $0x0  }
0x12: {  	s1 =	sld [smem:$0x3F9C];
	s0 =	simm.s32 @p0 $0x1  }
0x13: {  	[smem:$0x3FB7] =	sst s0;
	s0 =	simm.s32 @!p1 $0x0  }
0x14: {  	s2 =	sld [smem:$0x3F9B];
	s0 =	simm.s32 @p1 $0x1  }
0x15: {  	[smem:$0x3FB8] =	sst s0;
	s0 =	simm.s32 @!p2 $0x0  }
0x16: {  	s3 =	sld [smem:$0x3FDB];
	s0 =	simm.s32 @p2 $0x1  }
0x17: {  	s4 =	simm.s32 $0x1BF5;
	[smem:$0x3FBA] =	sst s0  }
0x18: {  	s0 =	sld [smem:$0x3F9D];
	_ =	swait.ge [sflag:s4], $0x0  }
0x19: {  	s7 =	sld [smem:$0x3F9E]  }
0x1a: {  	s8 =	sadd.s32 $0xFFFFE003, lr  }
0x1b: {  	s9 =	sadd.s32 $0xFFFFFEF7, lr;
	s5 =	simm.s32 $0xFFFFFFFF;
	p2 =	slt.u32 s8, $0xFFFFF086  }
0x1c: {  	p1 =	slt.u32 s9, $0xF7A;
	s5 =	simm.s32 @!p2 $0x0  }
0x1d: {  	s5 =	simm.s32 @p1 $0x1;
	p0 =	seq.s32 s7, s2  }
0x1e: {  	s7 =	smul.u32 @!p0 $0xF7A, s2;
	p2 =	seq.s32 @!p0 s5, $0x0  }
0x1f: {  	s9 =	smul.u32 $0xF7A, s1;
	s8 =	simm.s32 @!p0 $0x1BF5;
	p2 =	por !p2, p0  }
0x20: {  	[sflag:s8] =	ssyncset.s32 @!p0 $0xFFFFF086;
	s6 =	sadd.s32 @!p0 s3, s7;
	s7 =	simm.s32 @!p0 $0x108  }
0x21: {  	s3 =	sadd.s32 s3, s9;
	s6 =	sadd.s32 @!p0 $0x88, s6;
	s7 =	simm.s32 @p2 $0x1082  }
0x22: {  	[simem:s7], [sflag:s8] =	dma.local @!p0 [hbm:s6], $0xF7A  }
0x23: {  	s9 =	sor.u32 $0xD0000000, s2;
	s6 =	simm.s32 $0x108;
	_ =	swait.ge @!p0 [sflag:s8], $0x0  }
0x24: {  	s3 =	sadd.s32 $0x88, s3;
	s6 =	simm.s32 @!p1 $0x1082;
	[sflag:s4] =	ssyncset.s32 $0xFFFFF086  }
0x25: {  	[simem:s6], [sflag:s4] =	dma.local [hbm:s3], $0xF7A  }
0x26: {  	[smem:$0x3F9E] =	sst s1;
	(tag) =	ssettag s2;
	_ =	strace s9  }
0x27: {  	s1 =	sld [smem:$0x3FAE]  }
0x28: {  	s2 =	sld [smem:$0x3FAF]  }
0x29: {  	s4 =	sld [smem:$0x3FB1]  }
0x2a: {  	p0 =	seq.s32 s5, $0x0;
	s5 =	sld [smem:$0x3FB2]  }
0x2b: {  	s6 =	sld [smem:$0x3FB3]  }
0x2c: {  	s7 =	sld [smem:$0x3FB4]  }
0x2d: {  	s3 =	simm.s32 $0x108;
	s8 =	sld [smem:$0x3FB5]  }
0x2e: {  	s3 =	simm.s32 @!p0 $0x1082;
	s9 =	sld [smem:$0x3FB6]  }
0x2f: {  	lr =	sadd.s32 s0, s3;
	s0 =	sld [smem:$0x3FAD]  }
0x30: {  	s3 =	sld [smem:$0x3FB0]  }
0x31: {  	[smem:$0x3FB9] =	sst s10  }
0x32: {  	s10 =	sld [smem:$0x3FB7];
	_ =	sdelay $0x3  }
0x33: {  	p0 =	seq.s32 s10, $0x1;
	s10 =	sld [smem:$0x3FB9];
	_ =	sdelay $0x3  }
0x34: {  	[smem:$0x3FB9] =	sst s10  }
0x35: {  	s10 =	sld [smem:$0x3FB8];
	_ =	sdelay $0x3  }
0x36: {  	p1 =	seq.s32 s10, $0x1;
	s10 =	sld [smem:$0x3FB9];
	_ =	sdelay $0x3  }
0x37: {  	[smem:$0x3FB9] =	sst s10  }
0x38: {  	s10 =	sld [smem:$0x3FBA]  }
0x39: {  	_ = 	snop;
	(pc) =	sbr.ind lr, $3  }
0x3a: {  	_ = 	snop  }
0x3b: {  	_ = 	snop  }
0x3c: {  	p2 =	seq.s32 s10, $0x1;
	s10 =	sld [smem:$0x3FB9]  }
0x3d: {  	_ =	shalt  }
0x3e: {  	_ =	shalt  }
0x3f: {  	_ =	shalt  }
0x40: {  	_ =	shalt  }
0x41: {  	_ =	shalt  }
0x42: {  	_ =	shalt  }
0x43: {  	_ =	shalt  }
0x44: {  	_ =	shalt  }
0x45: {  	_ =	shalt  }
0x46: {  	_ =	shalt  }
0x47: {  	_ =	shalt  }
0x48: {  	_ =	shalt  }
0x49: {  	_ =	shalt  }
0x4a: {  	_ =	shalt  }
0x4b: {  	_ =	shalt  }
0x4c: {  	_ =	shalt  }
0x4d: {  	_ =	shalt  }
0x4e: {  	_ =	shalt  }
0x4f: {  	_ =	shalt  }
0x50: {  	_ =	shalt  }
0x51: {  	_ =	shalt  }
0x52: {  	_ =	shalt  }
0x53: {  	_ =	shalt  }
0x54: {  	_ =	shalt  }
0x55: {  	_ =	shalt  }
0x56: {  	_ =	shalt  }
0x57: {  	_ =	shalt  }
0x58: {  	_ =	shalt  }
0x59: {  	_ =	shalt  }
0x5a: {  	_ =	shalt  }
0x5b: {  	_ =	shalt  }
0x5c: {  	_ =	shalt  }
0x5d: {  	_ =	shalt  }
0x5e: {  	_ =	shalt  }
0x5f: {  	_ =	shalt  }
0x60: {  	_ =	shalt  }
0x61: {  	_ =	shalt  }
0x62: {  	_ =	shalt  }
0x63: {  	_ =	shalt  }
0x64: {  	_ =	shalt  }
0x65: {  	_ =	shalt  }
0x66: {  	_ =	shalt  }
0x67: {  	_ =	shalt  }
0x68: {  	_ =	shalt  }
0x69: {  	_ =	shalt  }
0x6a: {  	_ =	shalt  }
0x6b: {  	_ =	shalt  }
0x6c: {  	_ =	shalt  }
0x6d: {  	_ =	shalt  }
0x6e: {  	_ =	shalt  }
0x6f: {  	_ =	shalt  }
0x70: {  	_ =	shalt  }
0x71: {  	_ =	shalt  }
0x72: {  	_ =	shalt  }
0x73: {  	_ =	shalt  }
0x74: {  	_ =	shalt  }
0x75: {  	_ =	shalt  }
0x76: {  	_ =	shalt  }
0x77: {  	_ =	shalt  }
0x78: {  	_ =	shalt  }
0x79: {  	_ =	shalt  }
0x7a: {  	_ =	shalt  }
0x7b: {  	_ =	shalt  }
0x7c: {  	_ =	shalt  }
0x7d: {  	_ =	shalt  }
0x7e: {  	_ =	shalt  }
0x7f: {  	_ =	shalt  }
0x80: {  	_ =	shalt  }
0x81: {  	_ =	shalt  }
0x82: {  	_ =	shalt  }
0x83: {  	_ =	shalt  }
0x84: {  	_ =	shalt  }
0x85: {  	_ =	shalt  }
0x86: {  	_ =	shalt  }
0x87: {  	_ =	shalt  }
.Lfunc_end0:
.L_simem_size_0:
called_computation.4_lowered:
.L_overlay_start_0:
0x88: {  	s2 =	sld [smem:$0x3FD9]  }
0x89: {  	s3 =	sld [smem:$0x3FFE];
	_ =	sdelay $0x1  }
0x8a: {  	s1 =	srdreg.scid  }
0x8b: {  	s0 =	sand.u32 $0x1, s1  }
0x8c: {  	s17 =	sshll.u32 s0, $0xA;
	s2 =	sadd.s32 s3, s2  }
0x8d: {  	s2 =	sadd.s32 s2, s17  }
0x8e: {  	[smem:$0x3FC5] =	sst s2  }
0x8f: {  	_ = 	snop  }
0x90: {  	s18 =	sld [smem:$0x3FC9];
	(tm) =	ssettm $0x1  }
0x91: {  	s19 =	sld [smem:$0x3FFB];
	_ =	sdelay $0x3  }
0x92: {  	_ =	strace s19  }
0x93: {  	s2 =	sld [smem:$0x3FFC];
	_ =	sdelay $0x3  }
0x94: {  	_ =	strace s2  }
0x95: {  	s2 =	sld [smem:$0x3FFD];
	_ =	sdelay $0x3  }
0x96: {  	_ =	strace s2  }
0x97: {  	_ =	strace $0x8FFFFFFF  }
0x98: {  	s20 =	sld [smem:$0x3FDB];
	_ =	sdelay $0x1  }
0x99: {  	s4 =	simm.s32 $_scs_section_size  }
0x9a: {  	s5 =	simm.s32 $_size__tile_overlayer_lowered;
	s6 =	simm.s32 $_tile_overlayer_lowered  }
0x9b: {  	s7 =	simm.s32 $0x1BFF;
	s21 =	sshll.u32 s6, $0x1;
	s4 =	sadd.s32 s4, s20  }
0x9c: {  	s22 =	simm.s32 $0x0;
	s5 =	sshll.u32 s5, $0x1;
	s6 =	sadd.s32 s21, s4  }
0x9d: {  	[timem:s22], [sflag:s7] =	dma.local [hbm:s6], s5  }
0x9e: {  	_ =	swait.ge [sflag:s7], s5  }
0x9f: {  	s5 =	ssub.s32 $0x0, s5;
	[sflag:s7] =	ssyncset.done $0x0  }
0xa0: {  	[sflag:s7] =	ssyncadd.s32 s5;
	_ =	sdelay $0x1  }
0xa1: {  	s23 =	simm.s32 $0x1B8B  }
0xa2: {  	_ =	swait.ge [sflag:s23], $0x1  }
0xa3: {  	[sflag:s23] =	ssyncset.done $0x0  }
0xa4: {  	[sflag:s23] =	ssyncadd.s32 $0xFFFFFFFF  }
0xa5: {  	s5 =	sld [smem:$0x0]  }
0xa6: {  	s6 =	sand.u32 $0xFFFFFFFE, s1  }
0xa7: {  	p0 =	sne.s32 s1, s6  }
0xa8: {  	s6 =	sshll.u32 @p0 s6, $0xE  }
0xa9: {  	s6 =	sadd.s32 @p0 $0x11B8D, s6;
	s7 =	sshll.u32 @p0 s5, $0x11  }
0xaa: {  	s6 =	sor.u32 @p0 s7, s6  }
0xab: {  	[sflag:s6] =	ssyncadd.remote.s32 @p0 $0x1;
	_ =	sdelay $0x1  }
0xac: {  	s6 =	simm.s32 @p0 $0x1B8D  }
0xad: {  	_ =	swait.eq @p0 [sflag:s6], $0x1  }
0xae: {  	[sflag:s6] =	ssyncadd.s32 @p0 $0xFFFFFFFF  }
0xaf: {  	s7 =	sshll.u32 @!p0 s1, $0xE  }
0xb0: {  	s7 =	sor.u32 @!p0 $0x4000, s7;
	s6 =	simm.s32 @!p0 $0x1B8D  }
0xb1: {  	s5 =	sshll.u32 @!p0 s5, $0x11;
	s7 =	sadd.s32 @!p0 $0x11B8D, s7;
	_ =	swait.eq @!p0 [sflag:s6], $0x1  }
0xb2: {  	s5 =	sor.u32 @!p0 s5, s7;
	[sflag:s6] =	ssyncadd.s32 @!p0 $0xFFFFFFFF  }
0xb3: {  	s25 =	simm.s32 $0x1B8E;
	s24 =	sld [smem:$0x3FFE];
	[sflag:s5] =	ssyncadd.remote.s32 @!p0 $0x1  }
0xb4: {  	s26 =	simm.s32 $execute0_lowered;
	[smem:$0x3FD2] =	sst s25  }
0xb5: {  	s6 =	sshll.u32 s26, $0x1;
	_ =	strace $0x8000004F;
	[dreg:$0x1] =	wrdreg $0xFFFFFFFF  }
0xb6: {  	s28 =	simm.s32 $_size_execute0_lowered;
	s4 =	sadd.s32 s4, s6;
	[dreg:$0x0] =	wrdreg $0x0  }
0xb7: {  	s6 =	sshll.u32 s28, $0x1;
	[dreg:$0x2] =	wrdreg s4  }
0xb8: {  	[dreg:$0x3] =	wrdreg s6  }
0xb9: {  	[dreg:$0x4] =	wrdreg $0xC0  }
0xba: {  	_ =	task [dreg:s22], $0x5FFFF  }
0xbb: {  	[dreg:$0x1] =	wrdreg $0xFFFFFFFF  }
0xbc: {  	[dreg:$0x0] =	wrdreg $0x60  }
0xbd: {  	[dreg:$0x2] =	wrdreg s18  }
0xbe: {  	[dreg:$0x3] =	wrdreg s24  }
0xbf: {  	[dreg:$0x4] =	wrdreg $0x9  }
0xc0: {  	_ =	task.clear_ibuf [dreg:s22], $0x5FFFF;
	_ =	strace $0x9000004F  }
0xc1: {  	s29 =	simm.s32 $0x9;
	_ =	strace $0x80000051  }
0xc2: {  	_ =	swait.ge [sflag:s29], $0x1  }
0xc3: {  	[sflag:s29] =	ssyncadd.s32 $0xFFFFFFFF  }
0xc4: {  	_ =	strace $0x90000051  }
0xc5: {  	_ =	sfence  }
0xc6: {  	s30 =	sld [smem:$0x0];
	_ =	sdelay $0x2  }
0xc7: {  	s31 =	sshll.u32 s1, $0xD;
	s1 =	sshrl.u32 s1, $0x2  }
0xc8: {  	s4 =	sand.u32 $0x4000, s31;
	s1 =	sadd.s32 s1, s30  }
0xc9: {  	s0 =	sor.u32 s4, s0;
	s1 =	sshll.u32 s1, $0x11  }
0xca: {  	s0 =	sor.u32 s1, s0  }
0xcb: {  	s0 =	sadd.s32 $0x8F2B, s0  }
0xcc: {  	[sflag:s0] =	ssyncadd.remote.s32 $0x1  }
0xcd: {  	_ =	sfence.sel $0xFFFF  }
0xce: {  	[dreg:$0x0] =	wrdreg $0xFFFFFFFF;
	(pc) =	sbr.abs _section_cstart, $3  }
0xcf: {  	[dreg:$0x1] =	wrdreg $0xFFFFFFFF  }
0xd0: {  	_ =	task.clear_ibuf [dreg:s22], $0x2FFFF;
	_ =	strace $0x9FFFFFFF  }
0xd1: {  	(tm) =	ssettm $0x7FFFFFFF  }
tec
execute0_lowered:
.L_overlay_start_1:
0x0: {  	(tag) =	ssettag $0x1  }
0x1: {  	s1 =	srdreg.scid;
	s2 =	rddreg [dreg:$0x0]  }
0x2: {  	s0 =	stileid.u32;
	s3 =	rddreg [dreg:$0x1]  }
0x3: {  	s6 =	simm.s32 $0x1;
	s9 =	simm.s32 $0x1;
	s1 =	sshll.u32 s1, $0x7  }
0x4: {  	s10 =	simm.s32 $0x3;
	s4 =	sshll.u32 s0, $0x8;
	s5 =	sand.u32 $0x80, s1  }
0x5: {  	s13 =	simm.s32 $0x0;
	s12 =	simm.s32 $0x0;
	s4 =	sor.u32 s4, s5  }
0x6: {  	s1 =	rddreg [dreg:$0x2];
	_ =	strace $0x80000050;
	s8 =	ssub.s32 $0x2000, s4  }
.Ltmp0:
0x7: {  	s5 =	sadd.s32 $0xC00, s3;
	s7 =	sand.u32 $0xF80, s8;
	(pc) =	sbr.rel .LBB2_1-.Ltmp0, $4  }
0x8: {  	[sflag:s6] =	ssyncpa.u1 $0x0;
	s11 =	smov.u32 s4;
	p0 =	sne.s32 s7, $0x0  }
0x9: {  	s8 =	sshrl.u32 s8, $0xC;
	s7 =	simm.s32 $0x2;
	s9 =	simm.s32 @!p0 $0x0  }
0xa: {  	[sflag:s7] =	ssyncpa.u1 $0x0;
	p0 =	por $0x0, $0x0;
	s8 =	sadd.s32 s9, s8  }
0xb: {  	vm0 =	vmmov $0xffff;
	[sflag:s10] =	ssyncpa.u1 $0x0;
	s10 =	simm.s32 $0x0;
	s9 =	sadd.s32 $0x1, s8  }
.LBB2_4:
0xc: {  	v2 =	vnsel vm1, $0x0, v2  }
0xd: {  	vm1 =	vgt.s32 v0, $0x0;
	v2 =	vmin.u32 v2, $0x1FFF  }
0xe: {  	v0 =	vnsel vm1, $0x0, v0  }
0xf: {  	v0 =	vmin.u32 v0, $0x1FFF  }
0x10: {  	[tilespmem:s15], [sflag:$0x1] =	stream.indirect_vreg.gather [hbm4b:s2+s10], $0x1, v1, vm0, $0x4038;
	[tilespmem:$0x200] =	vst v63  }
0x11: {  	(ifvalue) =	ssetifvalue $0x7FFFFFFF  }
0x12: {  	[tilespmem:s16], [sflag:$0x1] =	stream.indirect_vreg.gather [hbm4b:s2+s10], $0x1, v2, vm0, $0x4038;
	[tilespmem:$0x200] =	vst v63  }
0x13: {  	s29 =	sadd.s32 $0x10, s16;
	(ifvalue) =	ssetifvalue $0x7FFFFFFF  }
0x14: {  	[tilespmem:s29], [sflag:$0x1] =	stream.indirect_vreg.gather [hbm4b:s2+s10], $0x1, v0, vm0, $0x4038;
	[tilespmem:$0x200] =	vst v63  }
0x15: {  	_ =	swait.ge [sflag:s6], $0x80  }
0x16: {  	s30 =	sshrl.u32 s13, $0x3;
	[sflag:s6] =	ssyncset.done $0x0  }
0x17: {  	s31 =	sand.u32 $0x7, s13;
	s15 =	sadd.s32 s5, s30;
	[sflag:s6] =	ssyncadd.s32 $0xFFFFFF80  }
0x18: {  	[hbm4b:s15+s31] =	stream.linear.scatter [tilespmem:s14], [sflag:$0x3], $0x80, $0x38;
	[tilespmem:$0x200] =	vst v63  }
.LBB2_5:
0x19: {  	s15 =	sadd.s32 $0x1000, s11  }
0x1a: {  	p2 =	sgt.s32 s15, $0x1FFF  }
0x1b: {  	s15 =	smov.u32 @p2 s4;
	p2 =	sne.s32 s12, s9  }
.Ltmp1:
0x1c: {  	p1 =	slt.u32 s12, $0x2;
	(pc) =	sbr.rel @!p2 .LBB2_6-.Ltmp1, $4  }
0x1d: {  	s14 =	simm.s32 @!p1 $0x3  }
0x1e: {  	s16 =	sadd.s32 $0x1, s12;
	_ =	swait.ge @!p1 [sflag:s14], $0x80  }
0x1f: {  	s13 =	smov.u32 s11;
	p0 =	por !p0, !p0;
	[sflag:s14] =	ssyncset.done @!p1 $0x0  }
0x20: {  	s12 =	smov.u32 s16;
	s11 =	smov.u32 s15;
	[sflag:s14] =	ssyncadd.s32 @!p1 $0xFFFFFF80  }
.LBB2_1:
0x21: {  	p1 =	sge.u32 s12, s8  }
0x22: {  	s14 =	sxor.u32 @!p1 $0xFFFFFFFF, s12  }
0x23: {  	s31 =	sadd.s32 $0xFFFFFFFF, s12;
	s15 =	sshrl.u32 @!p1 s11, $0x3;
	s14 =	sshll.u32 @!p1 s14, $0x7  }
0x24: {  	s16 =	sand.u32 @!p1 $0x7, s11;
	s15 =	sadd.s32 @!p1 s3, s15;
	s14 =	sand.u32 @!p1 $0x80, s14  }
0x25: {  	[tilespmem:s14], [sflag:$0x2] =	stream.linear.gather @!p1 [hbm4b:s15+s16], $0x80, $0x38;
	[tilespmem:$0x200] =	vst v63  }
0x26: {  	p1 =	sge.u32 s31, s8  }
.Ltmp2:
0x27: {  	_ = 	snop;
	(pc) =	sbr.rel @p1 .LBB2_5-.Ltmp2, $1  }
0x28: {  	_ =	sdelay $0x3  }
0x29: {  	s14 =	simm.s32 $0x1  }
0x2a: {  	_ =	swait.ge [sflag:s7], $0x80;
	s14 =	simm.s32 @!p0 $0x0  }
0x2b: {  	[sflag:s7] =	ssyncset.done $0x0;
	s14 =	sshll.u32 s14, $0x7  }
0x2c: {  	[sflag:s7] =	ssyncadd.s32 $0xFFFFFF80;
	(ifvalue) =	ssetifvalue $0x7FFFFFFF;
	v0 =	vld.msk [tilespmem:s14+$0x0 ss:$0x1], $0xffff;
	_ =	sdelay $0x4  }
0x2d: {  	s15 =	sadd.s32 $0x10, s14;
	vm1 =	vgt.s32 v0, $0x0  }
0x2e: {  	v2 =	vld.msk [tilespmem:s15+$0x0 ss:$0x1], $0xffff;
	v1 =	vnsel vm1, $0x0, v0  }
0x2f: {  	v1 =	vmin.u32 v1, $0x1FFF;
	_ =	sdelay $0x1  }
0x30: {  	s16 =	sshll.u32 s12, $0x7;
	s18 =	simm.s32 $0x20  }
0x31: {  	s16 =	sand.u32 $0x80, s16;
	s17 =	sadd.s32 $0x10, s15;
	s15 =	sor.u32 $0x100, s14  }
0x32: {  	s14 =	sor.u32 $0x100, s16;
	s16 =	sadd.s32 $0x10, s15;
	v0 =	vld.msk [tilespmem:s17+$0x0 ss:$0x1], $0xffff;
	vm1 =	vgt.s32 v2, $0x0;
	(ifvalue) =	ssetifvalue $0x7FFFFFFF  }
.LBB2_3:
0x33: {  	[tilespmem:s15], [sflag:$0x1] =	stream.indirect_vreg.gather [hbm4b:s2+s10], $0x1, v1, vm0, $0x4038;
	[tilespmem:$0x200] =	vst v63  }
0x34: {  	s18 =	sadd.s32 $0x10, s18  }
0x35: {  	v2 =	vnsel vm1, $0x0, v2;
	p1 =	slt.u32 s18, $0x70  }
.Ltmp3:
0x36: {  	s15 =	smov.u32 s16;
	v1 =	vmin.u32 v2, $0x1FFF;
	(pc) =	sbr.rel @p1 .LBB2_3-.Ltmp3, $3  }
0x37: {  	_ =	sdelay $0x1  }
0x38: {  	s17 =	sadd.s32 $0x10, s17  }
0x39: {  	vm1 =	vgt.s32 v0, $0x0;
	s16 =	sadd.s32 $0x10, s16;
	v2 =	vmov v0;
	(ifvalue) =	ssetifvalue $0x7FFFFFFF;
	v0 =	vld.msk [tilespmem:s17+$0x0 ss:$0x1], $0xffff  }
.Ltmp4:
0x3a: {  	_ = 	snop;
	(pc) =	sbr.rel .LBB2_4-.Ltmp4, $1  }
0x3b: {  	_ =	sdelay $0x3  }
.LBB2_6:
0x3c: {  	_ =	sfence.sel $0x180000  }
0x3d: {  	s2 =	simm.s32 $0x2;
	[bflag:$0x0] =	sbarrier.arrive $0xFFFF  }
0x3e: {  	s30 =	simm.s32 $0x3;
	[sflag:s2] =	ssyncpa.u1 $0x1  }
0x3f: {  	s31 =	simm.s32 $0x1;
	[sflag:s30] =	ssyncpa.u1 $0x1  }
0x40: {  	[sflag:s31] =	ssyncpa.u1 $0x1  }
0x41: {  	p0 =	sne.s32 s0, $0x0;
	_ =	strace $0x90000050  }
0x42: {  	s0 =	sadd.s32 @!p0 $0x100000, s1;
	[bflag:$0x2] =	sbarrier.arrive $0xFFFF  }
0x43: {  	[sflag:s0] =	ssyncadd.tile.s32 @!p0 $0x1;
	_ =	shalt  }
.Lfunc_end2:
_tile_overlayer_lowered:
.L_overlay_start_2:
0x44: {  	(tag) =	ssettag $0x2  }
0x45: {  	s0 =	rddreg [dreg:$0x0];
	s2 =	stileid.u32  }
0x46: {  	s1 =	rddreg [dreg:$0x1];
	p0 =	sne.s32 s2, $0x0  }
0x47: {  	s3 =	rddreg [dreg:$0x2];
	[bflag:$0x3] =	sbarrier.arrive $0xFFFF;
	s2 =	simm.s32 @!p0 $0x1C01  }
0x48: {  	[timem:s3], [sflag:s2] =	dma.local @!p0 [hbm:s0], s1  }
0x49: {  	s0 =	simm.s32 @!p0 $0x1  }
0x4a: {  	_ =	swait.ge @!p0 [sflag:s0], s1  }
0x4b: {  	s1 =	ssub.s32 @!p0 $0x0, s1;
	[sflag:s0] =	ssyncset.done @!p0 $0x0  }
0x4c: {  	[sflag:s0] =	ssyncadd.s32 @!p0 s1  }
0x4d: {  	[bflag:$0x3] =	sbarrier.arrive $0xFFFF  }
0x4e: {  	_ =	shalt  }

// kernel: gather_offload_async_start
scs
__scs_entry_jumppad:
0x0: {  	(pc) =	sbr.rel $0x88, $3  }
0x1: {  	(tag) =	ssettag $0x0;
	lr =	simm.s32 $0x1  }
0x2: {  	[smem:$0x3F9E] =	sst lr;
	_ =	strace $0xD0000000  }
0x3: {  	_ = 	snop  }
0x4: {  	_ = 	snop  }
0x5: {  	_ = 	snop  }
0x6: {  	_ = 	snop  }
0x7: {  	_ = 	snop  }
__scs_overlays_trampoline_lowered:
0x8: {  	[smem:$0x3FAD] =	sst s0  }
0x9: {  	[smem:$0x3FAE] =	sst s1  }
0xa: {  	[smem:$0x3FAF] =	sst s2  }
0xb: {  	[smem:$0x3FB0] =	sst s3  }
0xc: {  	[smem:$0x3FB1] =	sst s4  }
0xd: {  	[smem:$0x3FB2] =	sst s5  }
0xe: {  	[smem:$0x3FB3] =	sst s6  }
0xf: {  	[smem:$0x3FB4] =	sst s7  }
0x10: {  	[smem:$0x3FB5] =	sst s8  }
0x11: {  	[smem:$0x3FB6] =	sst s9;
	s0 =	simm.s32 @!p0 $0x0  }
0x12: {  	s1 =	sld [smem:$0x3F9C];
	s0 =	simm.s32 @p0 $0x1  }
0x13: {  	[smem:$0x3FB7] =	sst s0;
	s0 =	simm.s32 @!p1 $0x0  }
0x14: {  	s2 =	sld [smem:$0x3F9B];
	s0 =	simm.s32 @p1 $0x1  }
0x15: {  	[smem:$0x3FB8] =	sst s0;
	s0 =	simm.s32 @!p2 $0x0  }
0x16: {  	s3 =	sld [smem:$0x3FDB];
	s0 =	simm.s32 @p2 $0x1  }
0x17: {  	s4 =	simm.s32 $0x1BF5;
	[smem:$0x3FBA] =	sst s0  }
0x18: {  	s0 =	sld [smem:$0x3F9D];
	_ =	swait.ge [sflag:s4], $0x0  }
0x19: {  	s7 =	sld [smem:$0x3F9E]  }
0x1a: {  	s8 =	sadd.s32 $0xFFFFE003, lr  }
0x1b: {  	s9 =	sadd.s32 $0xFFFFFEF7, lr;
	s5 =	simm.s32 $0xFFFFFFFF;
	p2 =	slt.u32 s8, $0xFFFFF086  }
0x1c: {  	p1 =	slt.u32 s9, $0xF7A;
	s5 =	simm.s32 @!p2 $0x0  }
0x1d: {  	s5 =	simm.s32 @p1 $0x1;
	p0 =	seq.s32 s7, s2  }
0x1e: {  	s7 =	smul.u32 @!p0 $0xF7A, s2;
	p2 =	seq.s32 @!p0 s5, $0x0  }
0x1f: {  	s9 =	smul.u32 $0xF7A, s1;
	s8 =	simm.s32 @!p0 $0x1BF5;
	p2 =	por !p2, p0  }
0x20: {  	[sflag:s8] =	ssyncset.s32 @!p0 $0xFFFFF086;
	s6 =	sadd.s32 @!p0 s3, s7;
	s7 =	simm.s32 @!p0 $0x108  }
0x21: {  	s3 =	sadd.s32 s3, s9;
	s6 =	sadd.s32 @!p0 $0x88, s6;
	s7 =	simm.s32 @p2 $0x1082  }
0x22: {  	[simem:s7], [sflag:s8] =	dma.local @!p0 [hbm:s6], $0xF7A  }
0x23: {  	s9 =	sor.u32 $0xD0000000, s2;
	s6 =	simm.s32 $0x108;
	_ =	swait.ge @!p0 [sflag:s8], $0x0  }
0x24: {  	s3 =	sadd.s32 $0x88, s3;
	s6 =	simm.s32 @!p1 $0x1082;
	[sflag:s4] =	ssyncset.s32 $0xFFFFF086  }
0x25: {  	[simem:s6], [sflag:s4] =	dma.local [hbm:s3], $0xF7A  }
0x26: {  	[smem:$0x3F9E] =	sst s1;
	(tag) =	ssettag s2;
	_ =	strace s9  }
0x27: {  	s1 =	sld [smem:$0x3FAE]  }
0x28: {  	s2 =	sld [smem:$0x3FAF]  }
0x29: {  	s4 =	sld [smem:$0x3FB1]  }
0x2a: {  	p0 =	seq.s32 s5, $0x0;
	s5 =	sld [smem:$0x3FB2]  }
0x2b: {  	s6 =	sld [smem:$0x3FB3]  }
0x2c: {  	s7 =	sld [smem:$0x3FB4]  }
0x2d: {  	s3 =	simm.s32 $0x108;
	s8 =	sld [smem:$0x3FB5]  }
0x2e: {  	s3 =	simm.s32 @!p0 $0x1082;
	s9 =	sld [smem:$0x3FB6]  }
0x2f: {  	lr =	sadd.s32 s0, s3;
	s0 =	sld [smem:$0x3FAD]  }
0x30: {  	s3 =	sld [smem:$0x3FB0]  }
0x31: {  	[smem:$0x3FB9] =	sst s10  }
0x32: {  	s10 =	sld [smem:$0x3FB7];
	_ =	sdelay $0x3  }
0x33: {  	p0 =	seq.s32 s10, $0x1;
	s10 =	sld [smem:$0x3FB9];
	_ =	sdelay $0x3  }
0x34: {  	[smem:$0x3FB9] =	sst s10  }
0x35: {  	s10 =	sld [smem:$0x3FB8];
	_ =	sdelay $0x3  }
0x36: {  	p1 =	seq.s32 s10, $0x1;
	s10 =	sld [smem:$0x3FB9];
	_ =	sdelay $0x3  }
0x37: {  	[smem:$0x3FB9] =	sst s10  }
0x38: {  	s10 =	sld [smem:$0x3FBA]  }
0x39: {  	_ = 	snop;
	(pc) =	sbr.ind lr, $3  }
0x3a: {  	_ = 	snop  }
0x3b: {  	_ = 	snop  }
0x3c: {  	p2 =	seq.s32 s10, $0x1;
	s10 =	sld [smem:$0x3FB9]  }
0x3d: {  	_ =	shalt  }
0x3e: {  	_ =	shalt  }
0x3f: {  	_ =	shalt  }
0x40: {  	_ =	shalt  }
0x41: {  	_ =	shalt  }
0x42: {  	_ =	shalt  }
0x43: {  	_ =	shalt  }
0x44: {  	_ =	shalt  }
0x45: {  	_ =	shalt  }
0x46: {  	_ =	shalt  }
0x47: {  	_ =	shalt  }
0x48: {  	_ =	shalt  }
0x49: {  	_ =	shalt  }
0x4a: {  	_ =	shalt  }
0x4b: {  	_ =	shalt  }
0x4c: {  	_ =	shalt  }
0x4d: {  	_ =	shalt  }
0x4e: {  	_ =	shalt  }
0x4f: {  	_ =	shalt  }
0x50: {  	_ =	shalt  }
0x51: {  	_ =	shalt  }
0x52: {  	_ =	shalt  }
0x53: {  	_ =	shalt  }
0x54: {  	_ =	shalt  }
0x55: {  	_ =	shalt  }
0x56: {  	_ =	shalt  }
0x57: {  	_ =	shalt  }
0x58: {  	_ =	shalt  }
0x59: {  	_ =	shalt  }
0x5a: {  	_ =	shalt  }
0x5b: {  	_ =	shalt  }
0x5c: {  	_ =	shalt  }
0x5d: {  	_ =	shalt  }
0x5e: {  	_ =	shalt  }
0x5f: {  	_ =	shalt  }
0x60: {  	_ =	shalt  }
0x61: {  	_ =	shalt  }
0x62: {  	_ =	shalt  }
0x63: {  	_ =	shalt  }
0x64: {  	_ =	shalt  }
0x65: {  	_ =	shalt  }
0x66: {  	_ =	shalt  }
0x67: {  	_ =	shalt  }
0x68: {  	_ =	shalt  }
0x69: {  	_ =	shalt  }
0x6a: {  	_ =	shalt  }
0x6b: {  	_ =	shalt  }
0x6c: {  	_ =	shalt  }
0x6d: {  	_ =	shalt  }
0x6e: {  	_ =	shalt  }
0x6f: {  	_ =	shalt  }
0x70: {  	_ =	shalt  }
0x71: {  	_ =	shalt  }
0x72: {  	_ =	shalt  }
0x73: {  	_ =	shalt  }
0x74: {  	_ =	shalt  }
0x75: {  	_ =	shalt  }
0x76: {  	_ =	shalt  }
0x77: {  	_ =	shalt  }
0x78: {  	_ =	shalt  }
0x79: {  	_ =	shalt  }
0x7a: {  	_ =	shalt  }
0x7b: {  	_ =	shalt  }
0x7c: {  	_ =	shalt  }
0x7d: {  	_ =	shalt  }
0x7e: {  	_ =	shalt  }
0x7f: {  	_ =	shalt  }
0x80: {  	_ =	shalt  }
0x81: {  	_ =	shalt  }
0x82: {  	_ =	shalt  }
0x83: {  	_ =	shalt  }
0x84: {  	_ =	shalt  }
0x85: {  	_ =	shalt  }
0x86: {  	_ =	shalt  }
0x87: {  	_ =	shalt  }
.Lfunc_end0:
.L_simem_size_0:
called_computation_lowered:
.L_overlay_start_0:
0x88: {  	s2 =	sld [smem:$0x3FD9]  }
0x89: {  	s3 =	sld [smem:$0x3FFE];
	_ =	sdelay $0x1  }
0x8a: {  	s1 =	srdreg.scid  }
0x8b: {  	s0 =	sand.u32 $0x1, s1  }
0x8c: {  	s17 =	sshll.u32 s0, $0xA;
	s2 =	sadd.s32 s3, s2  }
0x8d: {  	s2 =	sadd.s32 s2, s17  }
0x8e: {  	[smem:$0x3FC5] =	sst s2  }
0x8f: {  	_ = 	snop  }
0x90: {  	s2 =	sld [smem:$0x3FC9];
	(tm) =	ssettm $0x1  }
0x91: {  	s18 =	sld [smem:$0x3FFB];
	_ =	sdelay $0x3  }
0x92: {  	_ =	strace s18  }
0x93: {  	s3 =	sld [smem:$0x3FFC];
	_ =	sdelay $0x3  }
0x94: {  	_ =	strace s3  }
0x95: {  	s3 =	sld [smem:$0x3FFD];
	_ =	sdelay $0x3  }
0x96: {  	_ =	strace s3  }
0x97: {  	_ =	strace $0x8FFFFFFF  }
0x98: {  	s19 =	sld [smem:$0x3FDB];
	_ =	sdelay $0x1  }
0x99: {  	s4 =	simm.s32 $_scs_section_size  }
0x9a: {  	s5 =	simm.s32 $_size__tile_overlayer_lowered;
	s6 =	simm.s32 $_tile_overlayer_lowered  }
0x9b: {  	s22 =	simm.s32 $0x1BFF;
	s21 =	sshll.u32 s6, $0x1;
	s3 =	sadd.s32 s4, s19  }
0x9c: {  	s7 =	simm.s32 $0x0;
	s20 =	sshll.u32 s5, $0x1;
	s5 =	sadd.s32 s21, s3  }
0x9d: {  	[timem:s7], [sflag:s22] =	dma.local [hbm:s5], s20  }
0x9e: {  	_ =	swait.ge [sflag:s22], s20  }
0x9f: {  	s4 =	ssub.s32 $0x0, s20;
	[sflag:s22] =	ssyncset.done $0x0  }
0xa0: {  	[sflag:s22] =	ssyncadd.s32 s4;
	_ =	sdelay $0x1  }
0xa1: {  	s23 =	simm.s32 $0x1B8B  }
0xa2: {  	_ =	swait.ge [sflag:s23], $0x1  }
0xa3: {  	[sflag:s23] =	ssyncset.done $0x0  }
0xa4: {  	s25 =	simm.s32 $0x1B8E;
	s24 =	sld [smem:$0x3FFE];
	[sflag:s23] =	ssyncadd.s32 $0xFFFFFFFF  }
0xa5: {  	s26 =	simm.s32 $execute0_lowered;
	[smem:$0x3FD2] =	sst s25  }
0xa6: {  	s5 =	sshll.u32 s26, $0x1;
	_ =	strace $0x80000046;
	[dreg:$0x1] =	wrdreg $0xFFFFFFFF  }
0xa7: {  	s28 =	simm.s32 $_size_execute0_lowered;
	s3 =	sadd.s32 s3, s5;
	[dreg:$0x0] =	wrdreg $0x0  }
0xa8: {  	s5 =	sshll.u32 s28, $0x1;
	[dreg:$0x2] =	wrdreg s3  }
0xa9: {  	[dreg:$0x3] =	wrdreg s5  }
0xaa: {  	[dreg:$0x4] =	wrdreg $0xC0  }
0xab: {  	_ =	task [dreg:s7], $0x5FFFF  }
0xac: {  	[dreg:$0x1] =	wrdreg $0xFFFFFFFF  }
0xad: {  	[dreg:$0x0] =	wrdreg $0x60  }
0xae: {  	[dreg:$0x2] =	wrdreg s2  }
0xaf: {  	[dreg:$0x3] =	wrdreg s24  }
0xb0: {  	[dreg:$0x4] =	wrdreg $0xA  }
0xb1: {  	_ =	task.clear_ibuf [dreg:s7], $0x5FFFF;
	_ =	strace $0x90000046  }
0xb2: {  	s29 =	simm.s32 $0xA;
	_ =	strace $0x80000048  }
0xb3: {  	_ =	swait.ge [sflag:s29], $0x1  }
0xb4: {  	[sflag:s29] =	ssyncadd.s32 $0xFFFFFFFF  }
0xb5: {  	_ =	strace $0x90000048  }
0xb6: {  	_ =	sfence  }
0xb7: {  	s30 =	sld [smem:$0x0];
	_ =	sdelay $0x2  }
0xb8: {  	s31 =	sshll.u32 s1, $0xD;
	s1 =	sshrl.u32 s1, $0x2  }
0xb9: {  	s3 =	sand.u32 $0x4000, s31;
	s1 =	sadd.s32 s1, s30  }
0xba: {  	s0 =	sor.u32 s3, s0;
	s1 =	sshll.u32 s1, $0x11  }
0xbb: {  	s0 =	sor.u32 s1, s0  }
0xbc: {  	s0 =	sadd.s32 $0x8F2B, s0  }
0xbd: {  	[sflag:s0] =	ssyncadd.remote.s32 $0x1  }
0xbe: {  	_ =	sfence.sel $0xFFFF  }
0xbf: {  	[dreg:$0x0] =	wrdreg $0xFFFFFFFF;
	(pc) =	sbr.abs _section_cstart, $3  }
0xc0: {  	[dreg:$0x1] =	wrdreg $0xFFFFFFFF  }
0xc1: {  	_ =	task.clear_ibuf [dreg:s7], $0x2FFFF;
	_ =	strace $0x9FFFFFFF  }
0xc2: {  	(tm) =	ssettm $0x7FFFFFFF  }
0xc3: {  	_ =	shalt  }
tec
execute0_lowered:
.L_overlay_start_1:
0x0: {  	(tag) =	ssettag $0x1  }
0x1: {  	s1 =	srdreg.scid;
	s2 =	rddreg [dreg:$0x0]  }
0x2: {  	s0 =	stileid.u32;
	s5 =	rddreg [dreg:$0x1];
	s6 =	simm.s32 $0x1  }
0x3: {  	s9 =	simm.s32 $0x1;
	s10 =	simm.s32 $0x3;
	s1 =	sshll.u32 s1, $0x7  }
0x4: {  	s13 =	simm.s32 $0x0;
	s3 =	sshll.u32 s0, $0x8;
	s4 =	sand.u32 $0x80, s1  }
0x5: {  	s12 =	simm.s32 $0x0;
	s1 =	rddreg [dreg:$0x2];
	s3 =	sor.u32 s3, s4  }
0x6: {  	_ =	strace $0x80000047;
	s4 =	sadd.s32 $0x400, s5;
	s8 =	ssub.s32 $0x2000, s3  }
.Ltmp0:
0x7: {  	s5 =	sadd.s32 $0x800, s5;
	s7 =	sand.u32 $0xF80, s8;
	(pc) =	sbr.rel .LBB2_1-.Ltmp0, $4  }
0x8: {  	[sflag:s6] =	ssyncpa.u1 $0x0;
	s11 =	smov.u32 s3;
	p0 =	sne.s32 s7, $0x0  }
0x9: {  	s8 =	sshrl.u32 s8, $0xC;
	s7 =	simm.s32 $0x2;
	s9 =	simm.s32 @!p0 $0x0  }
0xa: {  	[sflag:s7] =	ssyncpa.u1 $0x0;
	p0 =	por $0x0, $0x0;
	s8 =	sadd.s32 s9, s8  }
0xb: {  	vm0 =	vmmov $0xffff;
	[sflag:s10] =	ssyncpa.u1 $0x0;
	s10 =	simm.s32 $0x0;
	s9 =	sadd.s32 $0x1, s8  }
.LBB2_4:
0xc: {  	v2 =	vnsel vm1, $0x0, v2  }
0xd: {  	vm1 =	vgt.s32 v0, $0x0;
	v2 =	vmin.u32 v2, $0x1FFF  }
0xe: {  	v0 =	vnsel vm1, $0x0, v0  }
0xf: {  	v0 =	vmin.u32 v0, $0x1FFF  }
0x10: {  	[tilespmem:s15], [sflag:$0x1] =	stream.indirect_vreg.gather [hbm4b:s2+s10], $0x1, v1, vm0, $0x4038;
	[tilespmem:$0x200] =	vst v63  }
0x11: {  	(ifvalue) =	ssetifvalue $0x7FFFFFFF  }
0x12: {  	[tilespmem:s16], [sflag:$0x1] =	stream.indirect_vreg.gather [hbm4b:s2+s10], $0x1, v2, vm0, $0x4038;
	[tilespmem:$0x200] =	vst v63  }
0x13: {  	s29 =	sadd.s32 $0x10, s16;
	(ifvalue) =	ssetifvalue $0x7FFFFFFF  }
0x14: {  	[tilespmem:s29], [sflag:$0x1] =	stream.indirect_vreg.gather [hbm4b:s2+s10], $0x1, v0, vm0, $0x4038;
	[tilespmem:$0x200] =	vst v63  }
0x15: {  	_ =	swait.ge [sflag:s6], $0x80  }
0x16: {  	s30 =	sshrl.u32 s13, $0x3;
	[sflag:s6] =	ssyncset.done $0x0  }
0x17: {  	s31 =	sand.u32 $0x7, s13;
	s15 =	sadd.s32 s5, s30;
	[sflag:s6] =	ssyncadd.s32 $0xFFFFFF80  }
0x18: {  	[hbm4b:s15+s31] =	stream.linear.scatter [tilespmem:s14], [sflag:$0x3], $0x80, $0x38;
	[tilespmem:$0x200] =	vst v63  }
.LBB2_5:
0x19: {  	s15 =	sadd.s32 $0x1000, s11  }
0x1a: {  	p2 =	sgt.s32 s15, $0x1FFF  }
0x1b: {  	s15 =	smov.u32 @p2 s3;
	p2 =	sne.s32 s12, s9  }
.Ltmp1:
0x1c: {  	p1 =	slt.u32 s12, $0x2;
	(pc) =	sbr.rel @!p2 .LBB2_6-.Ltmp1, $4  }
0x1d: {  	s14 =	simm.s32 @!p1 $0x3  }
0x1e: {  	s16 =	sadd.s32 $0x1, s12;
	_ =	swait.ge @!p1 [sflag:s14], $0x80  }
0x1f: {  	s13 =	smov.u32 s11;
	p0 =	por !p0, !p0;
	[sflag:s14] =	ssyncset.done @!p1 $0x0  }
0x20: {  	s12 =	smov.u32 s16;
	s11 =	smov.u32 s15;
	[sflag:s14] =	ssyncadd.s32 @!p1 $0xFFFFFF80  }
.LBB2_1:
0x21: {  	p1 =	sge.u32 s12, s8  }
0x22: {  	s14 =	sxor.u32 @!p1 $0xFFFFFFFF, s12  }
0x23: {  	s31 =	sadd.s32 $0xFFFFFFFF, s12;
	s15 =	sshrl.u32 @!p1 s11, $0x3;
	s14 =	sshll.u32 @!p1 s14, $0x7  }
0x24: {  	s16 =	sand.u32 @!p1 $0x7, s11;
	s15 =	sadd.s32 @!p1 s4, s15;
	s14 =	sand.u32 @!p1 $0x80, s14  }
0x25: {  	[tilespmem:s14], [sflag:$0x2] =	stream.linear.gather @!p1 [hbm4b:s15+s16], $0x80, $0x38;
	[tilespmem:$0x200] =	vst v63  }
0x26: {  	p1 =	sge.u32 s31, s8  }
.Ltmp2:
0x27: {  	_ = 	snop;
	(pc) =	sbr.rel @p1 .LBB2_5-.Ltmp2, $1  }
0x28: {  	_ =	sdelay $0x3  }
0x29: {  	s14 =	simm.s32 $0x1  }
0x2a: {  	_ =	swait.ge [sflag:s7], $0x80;
	s14 =	simm.s32 @!p0 $0x0  }
0x2b: {  	[sflag:s7] =	ssyncset.done $0x0;
	s14 =	sshll.u32 s14, $0x7  }
0x2c: {  	[sflag:s7] =	ssyncadd.s32 $0xFFFFFF80;
	(ifvalue) =	ssetifvalue $0x7FFFFFFF;
	v0 =	vld.msk [tilespmem:s14+$0x0 ss:$0x1], $0xffff;
	_ =	sdelay $0x4  }
0x2d: {  	s15 =	sadd.s32 $0x10, s14;
	vm1 =	vgt.s32 v0, $0x0  }
0x2e: {  	v2 =	vld.msk [tilespmem:s15+$0x0 ss:$0x1], $0xffff;
	v1 =	vnsel vm1, $0x0, v0  }
0x2f: {  	v1 =	vmin.u32 v1, $0x1FFF;
	_ =	sdelay $0x1  }
0x30: {  	s16 =	sshll.u32 s12, $0x7;
	s18 =	simm.s32 $0x20  }
0x31: {  	s16 =	sand.u32 $0x80, s16;
	s17 =	sadd.s32 $0x10, s15;
	s15 =	sor.u32 $0x100, s14  }
0x32: {  	s14 =	sor.u32 $0x100, s16;
	s16 =	sadd.s32 $0x10, s15;
	v0 =	vld.msk [tilespmem:s17+$0x0 ss:$0x1], $0xffff;
	vm1 =	vgt.s32 v2, $0x0;
	(ifvalue) =	ssetifvalue $0x7FFFFFFF  }
.LBB2_3:
0x33: {  	[tilespmem:s15], [sflag:$0x1] =	stream.indirect_vreg.gather [hbm4b:s2+s10], $0x1, v1, vm0, $0x4038;
	[tilespmem:$0x200] =	vst v63  }
0x34: {  	s18 =	sadd.s32 $0x10, s18  }
0x35: {  	v2 =	vnsel vm1, $0x0, v2;
	p1 =	slt.u32 s18, $0x70  }
.Ltmp3:
0x36: {  	s15 =	smov.u32 s16;
	v1 =	vmin.u32 v2, $0x1FFF;
	(pc) =	sbr.rel @p1 .LBB2_3-.Ltmp3, $3  }
0x37: {  	_ =	sdelay $0x1  }
0x38: {  	s17 =	sadd.s32 $0x10, s17  }
0x39: {  	vm1 =	vgt.s32 v0, $0x0;
	s16 =	sadd.s32 $0x10, s16;
	v2 =	vmov v0;
	(ifvalue) =	ssetifvalue $0x7FFFFFFF;
	v0 =	vld.msk [tilespmem:s17+$0x0 ss:$0x1], $0xffff  }
.Ltmp4:
0x3a: {  	_ = 	snop;
	(pc) =	sbr.rel .LBB2_4-.Ltmp4, $1  }
0x3b: {  	_ =	sdelay $0x3  }
.LBB2_6:
0x3c: {  	_ =	sfence.sel $0x180000  }
0x3d: {  	s2 =	simm.s32 $0x2;
	[bflag:$0x0] =	sbarrier.arrive $0xFFFF  }
0x3e: {  	s30 =	simm.s32 $0x3;
	[sflag:s2] =	ssyncpa.u1 $0x1  }
0x3f: {  	s31 =	simm.s32 $0x1;
	[sflag:s30] =	ssyncpa.u1 $0x1  }
0x40: {  	[sflag:s31] =	ssyncpa.u1 $0x1  }
0x41: {  	p0 =	sne.s32 s0, $0x0;
	_ =	strace $0x90000047  }
0x42: {  	s0 =	sadd.s32 @!p0 $0x100000, s1;
	[bflag:$0x2] =	sbarrier.arrive $0xFFFF  }
0x43: {  	[sflag:s0] =	ssyncadd.tile.s32 @!p0 $0x1;
	_ =	shalt  }
.Lfunc_end2:
_tile_overlayer_lowered:
.L_overlay_start_2:
0x44: {  	(tag) =	ssettag $0x2  }
0x45: {  	s0 =	rddreg [dreg:$0x0];
	s2 =	stileid.u32  }
0x46: {  	s1 =	rddreg [dreg:$0x1];
	p0 =	sne.s32 s2, $0x0  }
0x47: {  	s3 =	rddreg [dreg:$0x2];
	[bflag:$0x3] =	sbarrier.arrive $0xFFFF;
	s2 =	simm.s32 @!p0 $0x1C01  }
0x48: {  	[timem:s3], [sflag:s2] =	dma.local @!p0 [hbm:s0], s1  }
0x49: {  	s0 =	simm.s32 @!p0 $0x1  }
0x4a: {  	_ =	swait.ge @!p0 [sflag:s0], s1  }
0x4b: {  	s1 =	ssub.s32 @!p0 $0x0, s1;
	[sflag:s0] =	ssyncset.done @!p0 $0x0  }
0x4c: {  	[sflag:s0] =	ssyncadd.s32 @!p0 s1  }
0x4d: {  	[bflag:$0x3] =	sbarrier.arrive $0xFFFF  }
0x4e: {  	_ =	shalt  }

</sc_bundles>
